<compile_context>
chip_gen: v7x
topology: tpu7x:2x2x1
jax: 0.10.2.dev20260603
libtpu: 0.0.44.dev20260713+nightly
codegen_flags: <defaults>
</compile_context>

<pallas_src>
import functools

import jax
import jax.numpy as jnp
from jax import lax
from jax.experimental import pallas as pl
from jax.experimental.pallas import tpu as pltpu
from jax.experimental.pallas import tpu_sc as plsc

_N = 10000
_E = 160000
_NPAD = 10240
_D_IN = 256
_D_HID = 128

_NC = 2
_NS = 16
_CB = 125

_DEG_NCHUNK = 40
_AGG_NCHUNK = 80
_AGG_STAGES = 2
_AGG_STCH = _AGG_NCHUNK // _AGG_STAGES

_sc_mesh = plsc.VectorSubcoreMesh(core_axis_name="c", subcore_axis_name="s")


@functools.partial(
    pl.kernel,
    mesh=_sc_mesh,
    out_type=jax.ShapeDtypeStruct((_NC, _NPAD), jnp.float32),
    scratch_types=[
        pltpu.VMEM((_DEG_NCHUNK, _CB), jnp.int32),
        pltpu.VMEM((128,), jnp.float32),
        pltpu.VMEM((640,), jnp.float32),
        pltpu.VMEM_SHARED((_NPAD,), jnp.float32),
    ],
)
def _deg_kernel(edge_hbm, out_hbm, idx_v, ones_v, zeros_v, acc_sh):
    cid = lax.axis_index("c")
    sid = lax.axis_index("s")
    w = cid * _NS + sid
    for i in range(8):
        ones_v[pl.ds(i * 16, 16)] = jnp.ones((16,), jnp.float32)

    def zfill(k, carry):
        zeros_v[pl.ds(k * 16, 16)] = jnp.zeros((16,), jnp.float32)
        return carry

    lax.fori_loop(0, 40, zfill, 0)
    pltpu.sync_copy(zeros_v, acc_sh.at[pl.ds(sid * 640, 640)])
    pltpu.sync_copy(
        edge_hbm.at[1, w // 2, pl.ds((w % 2) * _DEG_NCHUNK, _DEG_NCHUNK)],
        idx_v)
    plsc.subcore_barrier()

    def body(j, carry):
        pltpu.sync_copy(ones_v.at[pl.ds(0, _CB)], acc_sh.at[idx_v.at[j]],
                        add=True)
        return carry

    lax.fori_loop(0, _DEG_NCHUNK, body, 0)
    plsc.subcore_barrier()
    pltpu.sync_copy(acc_sh.at[pl.ds(sid * 640, 640)],
                    out_hbm.at[cid, pl.ds(sid * 640, 640)])


@functools.partial(
    pl.kernel,
    mesh=_sc_mesh,
    out_type=[
        jax.ShapeDtypeStruct((_NPAD, _D_HID), jnp.float32),
        jax.ShapeDtypeStruct((_NPAD, _D_HID), jnp.float32),
    ],
    scratch_types=[
        pltpu.VMEM((_AGG_STCH, _CB), jnp.int32),
        pltpu.VMEM((_AGG_STCH, _CB), jnp.int32),
        pltpu.VMEM((2, 128, _D_HID), jnp.float32),
        pltpu.VMEM_SHARED((_NPAD, _D_HID), jnp.float32),
        pltpu.SemaphoreType.DMA,
        pltpu.SemaphoreType.DMA,
    ],
)
def _agg_kernel(y0_hbm, y1_hbm, edge_hbm, s0_hbm, s1_hbm,
                idx_s, idx_d, rows_v, acc_sh, sem_a, sem_b):
    cid = lax.axis_index("c")
    sid = lax.axis_index("s")

    def icopy(y_ref):
        def body(k, carry):
            pltpu.sync_copy(y_ref.at[pl.ds(sid * 640 + k * 128, 128)],
                            acc_sh.at[pl.ds(sid * 640 + k * 128, 128)])
            return carry
        lax.fori_loop(0, 5, body, 0)

    @pl.when(cid == 0)
    def _():
        icopy(y0_hbm)

    @pl.when(cid == 1)
    def _():
        icopy(y1_hbm)

    plsc.subcore_barrier()

    def run(y_ref):
        buf = [rows_v.at[0, pl.ds(0, _CB)], rows_v.at[1, pl.ds(0, _CB)]]

        def stage(st, carry):
            pltpu.sync_copy(
                edge_hbm.at[0, sid, pl.ds(st * _AGG_STCH, _AGG_STCH)], idx_s)
            pltpu.sync_copy(
                edge_hbm.at[1, sid, pl.ds(st * _AGG_STCH, _AGG_STCH)], idx_d)
            pltpu.async_copy(y_ref.at[idx_s.at[0]], buf[0], sem_a)

            def body(jj, c2):
                ca = 2 * jj
                cb = 2 * jj + 1
                pltpu.async_copy(y_ref.at[idx_s.at[cb]], buf[1], sem_b)
                pltpu.make_async_copy(y_ref.at[idx_s.at[ca]], buf[0],
                                      sem_a).wait()
                pltpu.sync_copy(buf[0], acc_sh.at[idx_d.at[ca]], add=True)

                @pl.when(ca + 2 < _AGG_STCH)
                def _():
                    pltpu.async_copy(y_ref.at[idx_s.at[ca + 2]], buf[0],
                                     sem_a)

                pltpu.make_async_copy(y_ref.at[idx_s.at[cb]], buf[1],
                                      sem_b).wait()
                pltpu.sync_copy(buf[1], acc_sh.at[idx_d.at[cb]], add=True)
                return c2

            lax.fori_loop(0, _AGG_STCH // 2, body, 0)
            return carry

        lax.fori_loop(0, _AGG_STAGES, stage, 0)

    @pl.when(cid == 0)
    def _():
        run(y0_hbm)

    @pl.when(cid == 1)
    def _():
        run(y1_hbm)

    plsc.subcore_barrier()

    @pl.when(cid == 0)
    def _():
        pltpu.sync_copy(acc_sh.at[pl.ds(sid * 640, 640)],
                        s0_hbm.at[pl.ds(sid * 640, 640)])

    @pl.when(cid == 1)
    def _():
        pltpu.sync_copy(acc_sh.at[pl.ds(sid * 640, 640)],
                        s1_hbm.at[pl.ds(sid * 640, 640)])


def _prep_body(cnt_ref, x_ref, y0_ref, y1_ref, dinv_ref):
    deg = cnt_ref[0, :] + cnt_ref[1, :] + 1.0
    dinv = lax.rsqrt(deg)
    dinv_ref[...] = dinv[:, None]
    dcol = dinv[:_N, None]
    y0_ref[pl.ds(0, _N), :] = x_ref[:, :_D_HID] * dcol
    y1_ref[pl.ds(0, _N), :] = x_ref[:, _D_HID:] * dcol


_ROWB = 5000


def _prep_call(cnt, x):
    return pl.pallas_call(
        _prep_body,
        grid=(1,),
        in_specs=[
            pl.BlockSpec((2, _NPAD), lambda i: (0, 0)),
            pl.BlockSpec((_N, _D_IN), lambda i: (0, 0)),
        ],
        out_specs=[
            pl.BlockSpec((_NPAD, _D_HID), lambda i: (0, 0)),
            pl.BlockSpec((_NPAD, _D_HID), lambda i: (0, 0)),
            pl.BlockSpec((_NPAD, 1), lambda i: (0, 0)),
        ],
        out_shape=[
            jax.ShapeDtypeStruct((_NPAD, _D_HID), jnp.float32),
            jax.ShapeDtypeStruct((_NPAD, _D_HID), jnp.float32),
            jax.ShapeDtypeStruct((_NPAD, 1), jnp.float32),
        ],
    )(cnt, x)


def _final_body(dinv_ref, s0_ref, s1_ref, a_ref, wcat_ref, bcat_ref,
                wf_ref, bf_ref, wc_ref, bc_ref, out_ref):
    dinv = dinv_ref[...]
    agg = jnp.concatenate(
        [s0_ref[...] * dinv, s1_ref[...] * dinv], axis=1)
    hcat = jnp.maximum(
        jnp.dot(agg, wcat_ref[...], preferred_element_type=jnp.float32)
        + bcat_ref[...], 0.0)
    alpha = 1.0 - a_ref[...]
    h_fused = alpha * hcat[:, :_D_HID] + (1.0 - alpha) * hcat[:, _D_HID:]
    h = jnp.maximum(
        jnp.dot(h_fused, wf_ref[...], preferred_element_type=jnp.float32)
        + bf_ref[...], 0.0)
    out_ref[...] = (
        jnp.dot(h, wc_ref[...], preferred_element_type=jnp.float32)
        + bc_ref[...])


def _final_call(dinv2, s0, s1, h_node2, wcat, bcat, wf, bf, wc, bc):
    nb = _N // _ROWB
    return pl.pallas_call(
        _final_body,
        grid=(nb,),
        in_specs=[
            pl.BlockSpec((_ROWB, 1), lambda i: (i, 0)),
            pl.BlockSpec((_ROWB, _D_HID), lambda i: (i, 0)),
            pl.BlockSpec((_ROWB, _D_HID), lambda i: (i, 0)),
            pl.BlockSpec((_ROWB, 1), lambda i: (i, 0)),
            pl.BlockSpec((_D_IN, _D_IN), lambda i: (0, 0)),
            pl.BlockSpec((1, _D_IN), lambda i: (0, 0)),
            pl.BlockSpec((_D_HID, 64), lambda i: (0, 0)),
            pl.BlockSpec((1, 64), lambda i: (0, 0)),
            pl.BlockSpec((64, 2), lambda i: (0, 0)),
            pl.BlockSpec((1, 2), lambda i: (0, 0)),
        ],
        out_specs=pl.BlockSpec((_ROWB, 2), lambda i: (i, 0)),
        out_shape=jax.ShapeDtypeStruct((_N, 2), jnp.float32),
    )(dinv2, s0, s1, h_node2, wcat, bcat, wf, bf, wc, bc)


def kernel(x, edge_index, h_node, W_homo, b_homo, W_hetero, b_hetero,
           W_fusion, b_fusion, W_cls, b_cls):
    e4 = edge_index.reshape(2, _NS, _AGG_NCHUNK, _CB)
    cnt = _deg_kernel(e4)
    y0, y1, dinv2 = _prep_call(cnt, x)
    s0, s1 = _agg_kernel(y0, y1, e4)
    wcat = jnp.concatenate([W_homo, W_hetero], axis=1)
    bcat = jnp.concatenate([b_homo, b_hetero]).reshape(1, _D_IN)
    logits = _final_call(dinv2, s0, s1, h_node.reshape(_N, 1),
                         wcat, bcat, W_fusion, b_fusion.reshape(1, 64),
                         W_cls, b_cls.reshape(1, 2))
    return logits

# --- scband reference (transcript-rebuilt; emitter-appended) ---
"""Pipeline reference for scband-hmcen-full-1855425872276 (READ-ONLY COPY).

The authoritative reference and input builder live on the scoring server;
editing this copy changes nothing except your own understanding.
"""

import jax, jax.numpy as jnp
import numpy as np

N = 10000
E = 160000
D_IN = 256
D_HID = 128
D_FUSE = 64
N_CLS = 2


def setup_inputs(seed: int = 0) -> dict:
    key = jax.random.key(seed)
    ks = jax.random.split(key, 12)
    x = jax.random.normal(ks[0], (N, D_IN), dtype=jnp.float32)
    edge_index = jax.random.randint(ks[1], (2, E), 0, N)
    h_node = jax.random.uniform(ks[2], (N,), dtype=jnp.float32)
    # GCNConv weights (glorot-style scaling)
    W_homo = jax.random.normal(ks[3], (D_IN, D_HID), dtype=jnp.float32) / np.sqrt(D_IN)
    b_homo = jnp.zeros((D_HID,), dtype=jnp.float32)
    W_hetero = jax.random.normal(ks[4], (D_IN, D_HID), dtype=jnp.float32) / np.sqrt(D_IN)
    b_hetero = jnp.zeros((D_HID,), dtype=jnp.float32)
    W_fusion = jax.random.normal(ks[5], (D_HID, D_FUSE), dtype=jnp.float32) / np.sqrt(D_HID)
    b_fusion = jnp.zeros((D_FUSE,), dtype=jnp.float32)
    W_cls = jax.random.normal(ks[6], (D_FUSE, N_CLS), dtype=jnp.float32) / np.sqrt(D_FUSE)
    b_cls = jnp.zeros((N_CLS,), dtype=jnp.float32)
    return {"x": x, "edge_index": edge_index, "h_node": h_node,
            "W_homo": W_homo, "b_homo": b_homo,
            "W_hetero": W_hetero, "b_hetero": b_hetero,
            "W_fusion": W_fusion, "b_fusion": b_fusion,
            "W_cls": W_cls, "b_cls": b_cls}


def gcn_conv(x, edge_index, W, b):
    # Faithful PyG GCNConv: add self-loops, symmetric normalization, scatter-add aggregation.
    n = x.shape[0]
    loop = jnp.arange(n)
    src = jnp.concatenate([edge_index[0], loop])
    dst = jnp.concatenate([edge_index[1], loop])
    deg = jnp.zeros((n,), dtype=x.dtype).at[dst].add(1.0)
    dinv = jnp.where(deg > 0, deg ** -0.5, 0.0)
    norm = dinv[src] * dinv[dst]
    xw = x @ W
    msg = xw[src] * norm[:, None]
    out = jnp.zeros((n, W.shape[1]), dtype=x.dtype).at[dst].add(msg)
    return out + b


def reference(x, edge_index, h_node, W_homo, b_homo, W_hetero, b_hetero, W_fusion, b_fusion, W_cls, b_cls):
    h_homo = jax.nn.relu(gcn_conv(x, edge_index, W_homo, b_homo))
    h_hetero = jax.nn.relu(gcn_conv(x, edge_index, W_hetero, b_hetero))
    alpha = (1.0 - h_node)[:, None]
    h_fused = alpha * h_homo + (1.0 - alpha) * h_hetero
    h = jax.nn.relu(h_fused @ W_fusion + b_fusion)
    logits = h @ W_cls + b_cls
    return logits

if __name__ == "__main__":
    import jax
    _d = setup_inputs()
    print(jax.jit(kernel)(*tuple(_d.values())))

</pallas_src>

<mosaic_0001>
#map = affine_map<(d0, d1) -> (0, 0, 0, 0)>
#map1 = affine_map<(d0, d1) -> (0, 0)>
module attributes {stable_mosaic.version = 14 : i64} {
  func.func @_deg_kernel(%arg0: i32, %arg1: i32, %arg2: memref<2x16x80x125xi32, #tpu.memory_space<hbm>>, %arg3: memref<2x10240xf32, #tpu.memory_space<hbm>>, %arg4: memref<40x125xi32, #tpu.memory_space<vmem>>, %arg5: memref<128xf32, #tpu.memory_space<vmem>>, %arg6: memref<640xf32, #tpu.memory_space<vmem>>, %arg7: memref<10240xf32, #tpu.memory_space<vmem_shared>>) attributes {dimension_semantics = [#tpu.dimension_semantics<core_parallel>, #tpu.dimension_semantics<subcore_parallel>], iteration_bounds = array<i64: 2, 16>, scalar_prefetch = 0 : i64, scratch_operands = 4 : i64, tpu.core_type = #tpu.core_type<sc_vector_subcore>, window_params = [{transform_indices = #map}, {transform_indices = #map1}]} {
    %mul3A = arith.constant 16 : i32
    %mul3A_0 = arith.muli %arg0, %mul3A : i32
    %add3A = arith.addi %mul3A_0, %arg1 : i32
    %broadcast_in_dim3A = arith.constant 1.000000e+00 : f32
    %broadcast_in_dim3A_1 = vector.broadcast %broadcast_in_dim3A : f32 to vector<16xf32>
    %swap3A = arith.constant 0 : index
    %swap3A_2 = tpu.vector_load %arg5[%swap3A] {strides = array<i32>} : memref<128xf32, #tpu.memory_space<vmem>>, vector<16xf32>,
    %swap3A_3 = vector.shape_cast %swap3A_2 : vector<16xf32> to vector<16xf32>
    %swap3A_4 = vector.shape_cast %broadcast_in_dim3A_1 : vector<16xf32> to vector<16xf32>
    tpu.vector_store %arg5[%swap3A], %swap3A_4 {strides = array<i32>} : memref<128xf32, #tpu.memory_space<vmem>>, vector<16xf32>,
    %broadcast_in_dim3A_5 = arith.constant 1.000000e+00 : f32
    %broadcast_in_dim3A_6 = vector.broadcast %broadcast_in_dim3A_5 : f32 to vector<16xf32>
    %swap3A_7 = arith.constant 16 : index
    %swap3A_8 = tpu.vector_load %arg5[%swap3A_7] {strides = array<i32>} : memref<128xf32, #tpu.memory_space<vmem>>, vector<16xf32>,
    %swap3A_9 = vector.shape_cast %swap3A_8 : vector<16xf32> to vector<16xf32>
    %swap3A_10 = vector.shape_cast %broadcast_in_dim3A_6 : vector<16xf32> to vector<16xf32>
    tpu.vector_store %arg5[%swap3A_7], %swap3A_10 {strides = array<i32>} : memref<128xf32, #tpu.memory_space<vmem>>, vector<16xf32>,
    %broadcast_in_dim3A_11 = arith.constant 1.000000e+00 : f32
    %broadcast_in_dim3A_12 = vector.broadcast %broadcast_in_dim3A_11 : f32 to vector<16xf32>
    %swap3A_13 = arith.constant 32 : index
    %swap3A_14 = tpu.vector_load %arg5[%swap3A_13] {strides = array<i32>} : memref<128xf32, #tpu.memory_space<vmem>>, vector<16xf32>,
    %swap3A_15 = vector.shape_cast %swap3A_14 : vector<16xf32> to vector<16xf32>
    %swap3A_16 = vector.shape_cast %broadcast_in_dim3A_12 : vector<16xf32> to vector<16xf32>
    tpu.vector_store %arg5[%swap3A_13], %swap3A_16 {strides = array<i32>} : memref<128xf32, #tpu.memory_space<vmem>>, vector<16xf32>,
    %broadcast_in_dim3A_17 = arith.constant 1.000000e+00 : f32
    %broadcast_in_dim3A_18 = vector.broadcast %broadcast_in_dim3A_17 : f32 to vector<16xf32>
    %swap3A_19 = arith.constant 48 : index
    %swap3A_20 = tpu.vector_load %arg5[%swap3A_19] {strides = array<i32>} : memref<128xf32, #tpu.memory_space<vmem>>, vector<16xf32>,
    %swap3A_21 = vector.shape_cast %swap3A_20 : vector<16xf32> to vector<16xf32>
    %swap3A_22 = vector.shape_cast %broadcast_in_dim3A_18 : vector<16xf32> to vector<16xf32>
    tpu.vector_store %arg5[%swap3A_19], %swap3A_22 {strides = array<i32>} : memref<128xf32, #tpu.memory_space<vmem>>, vector<16xf32>,
    %broadcast_in_dim3A_23 = arith.constant 1.000000e+00 : f32
    %broadcast_in_dim3A_24 = vector.broadcast %broadcast_in_dim3A_23 : f32 to vector<16xf32>
    %swap3A_25 = arith.constant 64 : index
    %swap3A_26 = tpu.vector_load %arg5[%swap3A_25] {strides = array<i32>} : memref<128xf32, #tpu.memory_space<vmem>>, vector<16xf32>,
    %swap3A_27 = vector.shape_cast %swap3A_26 : vector<16xf32> to vector<16xf32>
    %swap3A_28 = vector.shape_cast %broadcast_in_dim3A_24 : vector<16xf32> to vector<16xf32>
    tpu.vector_store %arg5[%swap3A_25], %swap3A_28 {strides = array<i32>} : memref<128xf32, #tpu.memory_space<vmem>>, vector<16xf32>,
    %broadcast_in_dim3A_29 = arith.constant 1.000000e+00 : f32
    %broadcast_in_dim3A_30 = vector.broadcast %broadcast_in_dim3A_29 : f32 to vector<16xf32>
    %swap3A_31 = arith.constant 80 : index
    %swap3A_32 = tpu.vector_load %arg5[%swap3A_31] {strides = array<i32>} : memref<128xf32, #tpu.memory_space<vmem>>, vector<16xf32>,
    %swap3A_33 = vector.shape_cast %swap3A_32 : vector<16xf32> to vector<16xf32>
    %swap3A_34 = vector.shape_cast %broadcast_in_dim3A_30 : vector<16xf32> to vector<16xf32>
    tpu.vector_store %arg5[%swap3A_31], %swap3A_34 {strides = array<i32>} : memref<128xf32, #tpu.memory_space<vmem>>, vector<16xf32>,
    %broadcast_in_dim3A_35 = arith.constant 1.000000e+00 : f32
    %broadcast_in_dim3A_36 = vector.broadcast %broadcast_in_dim3A_35 : f32 to vector<16xf32>
    %swap3A_37 = arith.constant 96 : index
    %swap3A_38 = tpu.vector_load %arg5[%swap3A_37] {strides = array<i32>} : memref<128xf32, #tpu.memory_space<vmem>>, vector<16xf32>,
    %swap3A_39 = vector.shape_cast %swap3A_38 : vector<16xf32> to vector<16xf32>
    %swap3A_40 = vector.shape_cast %broadcast_in_dim3A_36 : vector<16xf32> to vector<16xf32>
    tpu.vector_store %arg5[%swap3A_37], %swap3A_40 {strides = array<i32>} : memref<128xf32, #tpu.memory_space<vmem>>, vector<16xf32>,
    %broadcast_in_dim3A_41 = arith.constant 1.000000e+00 : f32
    %broadcast_in_dim3A_42 = vector.broadcast %broadcast_in_dim3A_41 : f32 to vector<16xf32>
    %swap3A_43 = arith.constant 112 : index
    %swap3A_44 = tpu.vector_load %arg5[%swap3A_43] {strides = array<i32>} : memref<128xf32, #tpu.memory_space<vmem>>, vector<16xf32>,
    %swap3A_45 = vector.shape_cast %swap3A_44 : vector<16xf32> to vector<16xf32>
    %swap3A_46 = vector.shape_cast %broadcast_in_dim3A_42 : vector<16xf32> to vector<16xf32>
    tpu.vector_store %arg5[%swap3A_43], %swap3A_46 {strides = array<i32>} : memref<128xf32, #tpu.memory_space<vmem>>, vector<16xf32>,
    %scan3A = arith.constant 0 : i32
    %scan3A_47 = arith.constant 0 : i32
    %scan3A_48 = arith.constant 40 : i32
    %scan3A_49 = arith.addi %scan3A_47, %scan3A_48 : i32
    %scan3A_50 = arith.constant 1 : i32
    scf.for %scan3A_97 = %scan3A_47 to %scan3A_49 step %scan3A_50  : i32 {
      %broadcast_in_dim3A_98 = arith.constant 0.000000e+00 : f32
      %broadcast_in_dim3A_99 = vector.broadcast %broadcast_in_dim3A_98 : f32 to vector<16xf32>
      %mul3A_100 = arith.constant 16 : i32
      %mul3A_101 = arith.muli %scan3A_97, %mul3A_100 : i32
      %swap3A_102 = arith.index_cast %mul3A_101 : i32 to index
      %swap3A_103 = tpu.vector_load %arg6[%swap3A_102] {strides = array<i32>} : memref<640xf32, #tpu.memory_space<vmem>>, vector<16xf32>,
      %swap3A_104 = vector.shape_cast %swap3A_103 : vector<16xf32> to vector<16xf32>
      %swap3A_105 = vector.shape_cast %broadcast_in_dim3A_99 : vector<16xf32> to vector<16xf32>
      tpu.vector_store %arg6[%swap3A_102], %swap3A_105 {strides = array<i32>} : memref<640xf32, #tpu.memory_space<vmem>>, vector<16xf32>,
    }
    %scan3A_51 = arith.constant 40 : i32
    %mul3A_52 = arith.constant 640 : i32
    %mul3A_53 = arith.muli %arg1, %mul3A_52 : i32
    "tpu.region"() ({
      %run_scoped3A_97 = tpu.sem_alloc : memref<!tpu.dma_semaphore, #tpu.memory_space<semaphore_mem>>
      %dma_start3A = tpu.memref_slice %arg7[%mul3A_53] : memref<10240xf32, #tpu.memory_space<vmem_shared>> -> memref<640xf32, #tpu.memory_space<vmem_shared>>
      %dma_start3A_98 = tpu.memref_slice %arg7[%mul3A_53] : memref<10240xf32, #tpu.memory_space<vmem_shared>> -> memref<640xf32, #tpu.memory_space<vmem_shared>>
      tpu.enqueue_dma source(%arg6 : memref<640xf32, #tpu.memory_space<vmem>>) target(%dma_start3A_98 : memref<640xf32, #tpu.memory_space<vmem_shared>>) target_semaphore(%run_scoped3A_97 : memref<!tpu.dma_semaphore, #tpu.memory_space<semaphore_mem>>)
      %dma_wait3A = tpu.memref_slice %arg7[%mul3A_53] : memref<10240xf32, #tpu.memory_space<vmem_shared>> -> memref<640xf32, #tpu.memory_space<vmem_shared>>
      %dma_wait3A_99 = tpu.memref_slice %arg7[%mul3A_53] : memref<10240xf32, #tpu.memory_space<vmem_shared>> -> memref<640xf32, #tpu.memory_space<vmem_shared>>
      tpu.wait_dma2 semaphore(%run_scoped3A_97 : memref<!tpu.dma_semaphore, #tpu.memory_space<semaphore_mem>>) src(%arg6 : memref<640xf32, #tpu.memory_space<vmem>>) dst(%dma_wait3A_99 : memref<640xf32, #tpu.memory_space<vmem_shared>>)
      tpu.yield
    }) : () -> ()
    %jit3A = arith.constant 2 : i32
    %div3A = arith.divsi %add3A, %jit3A : i32
    %sign3A = arith.constant 0 : i32
    %sign3A_54 = arith.cmpi sgt, %add3A, %sign3A : i32
    %sign3A_55 = arith.extui %sign3A_54 : i1 to i32
    %sign3A_56 = arith.constant 0 : i32
    %sign3A_57 = arith.cmpi slt, %add3A, %sign3A_56 : i32
    %sign3A_58 = arith.extui %sign3A_57 : i1 to i32
    %sign3A_59 = arith.subi %sign3A_55, %sign3A_58 : i32
    %sign3A_60 = arith.constant 0 : i32
    %sign3A_61 = arith.cmpi sgt, %jit3A, %sign3A_60 : i32
    %sign3A_62 = arith.extui %sign3A_61 : i1 to i32
    %sign3A_63 = arith.constant 0 : i32
    %sign3A_64 = arith.cmpi slt, %jit3A, %sign3A_63 : i32
    %sign3A_65 = arith.extui %sign3A_64 : i1 to i32
    %sign3A_66 = arith.subi %sign3A_62, %sign3A_65 : i32
    %ne3A = arith.cmpi ne, %sign3A_59, %sign3A_66 : i32
    %rem3A = arith.remsi %add3A, %jit3A : i32
    %ne3A_67 = arith.constant 0 : i32
    %ne3A_68 = arith.cmpi ne, %rem3A, %ne3A_67 : i32
    %and3A = arith.andi %ne3A, %ne3A_68 : i1
    %sub3A = arith.constant 1 : i32
    %sub3A_69 = arith.subi %div3A, %sub3A : i32
    %select_n3A = arith.select %and3A, %sub3A_69, %div3A : i32
    %jit3A_70 = arith.constant 2 : i32
    %eq3A = arith.constant 0 : i32
    %eq3A_71 = arith.cmpi eq, %jit3A_70, %eq3A : i32
    %jit3A_72 = arith.constant 1 : i32
    %select_n3A_73 = arith.select %eq3A_71, %jit3A_72, %jit3A_70 : i32
    %rem3A_74 = arith.remsi %add3A, %select_n3A_73 : i32
    %ne3A_75 = arith.constant 0 : i32
    %ne3A_76 = arith.cmpi ne, %rem3A_74, %ne3A_75 : i32
    %lt3A = arith.constant 0 : i32
    %lt3A_77 = arith.cmpi slt, %rem3A_74, %lt3A : i32
    %lt3A_78 = arith.constant 0 : i32
    %lt3A_79 = arith.cmpi slt, %select_n3A_73, %lt3A_78 : i32
    %ne3A_80 = arith.xori %lt3A_77, %lt3A_79 : i1
    %and3A_81 = arith.andi %ne3A_80, %ne3A_76 : i1
    %add3A_82 = arith.addi %rem3A_74, %select_n3A_73 : i32
    %select_n3A_83 = arith.select %and3A_81, %add3A_82, %rem3A_74 : i32
    %mul3A_84 = arith.constant 40 : i32
    %mul3A_85 = arith.muli %select_n3A_83, %mul3A_84 : i32
    %run_scoped3A = arith.constant 1 : i32
    "tpu.region"() ({
      %run_scoped3A_97 = tpu.sem_alloc : memref<!tpu.dma_semaphore, #tpu.memory_space<semaphore_mem>>
      %dma_start3A = arith.constant 0 : i32
      %dma_start3A_98 = tpu.memref_slice %arg2[%run_scoped3A, %select_n3A, %mul3A_85, %dma_start3A] : memref<2x16x80x125xi32, #tpu.memory_space<hbm>> -> memref<1x1x40x125xi32, #tpu.memory_space<hbm>>
      %dma_start3A_99 = tpu.memref_squeeze %dma_start3A_98 : memref<1x1x40x125xi32, #tpu.memory_space<hbm>> -> memref<40x125xi32, #tpu.memory_space<hbm>>
      %dma_start3A_100 = arith.constant 0 : i32
      %dma_start3A_101 = tpu.memref_slice %arg2[%run_scoped3A, %select_n3A, %mul3A_85, %dma_start3A_100] : memref<2x16x80x125xi32, #tpu.memory_space<hbm>> -> memref<1x1x40x125xi32, #tpu.memory_space<hbm>>
      %dma_start3A_102 = tpu.memref_squeeze %dma_start3A_101 : memref<1x1x40x125xi32, #tpu.memory_space<hbm>> -> memref<40x125xi32, #tpu.memory_space<hbm>>
      tpu.enqueue_dma source(%dma_start3A_102 : memref<40x125xi32, #tpu.memory_space<hbm>>) target(%arg4 : memref<40x125xi32, #tpu.memory_space<vmem>>) target_semaphore(%run_scoped3A_97 : memref<!tpu.dma_semaphore, #tpu.memory_space<semaphore_mem>>)
      %dma_wait3A = arith.constant 0 : i32
      %dma_wait3A_103 = tpu.memref_slice %arg2[%run_scoped3A, %select_n3A, %mul3A_85, %dma_wait3A] : memref<2x16x80x125xi32, #tpu.memory_space<hbm>> -> memref<1x1x40x125xi32, #tpu.memory_space<hbm>>
      %dma_wait3A_104 = tpu.memref_squeeze %dma_wait3A_103 : memref<1x1x40x125xi32, #tpu.memory_space<hbm>> -> memref<40x125xi32, #tpu.memory_space<hbm>>
      %dma_wait3A_105 = arith.constant 0 : i32
      %dma_wait3A_106 = tpu.memref_slice %arg2[%run_scoped3A, %select_n3A, %mul3A_85, %dma_wait3A_105] : memref<2x16x80x125xi32, #tpu.memory_space<hbm>> -> memref<1x1x40x125xi32, #tpu.memory_space<hbm>>
      %dma_wait3A_107 = tpu.memref_squeeze %dma_wait3A_106 : memref<1x1x40x125xi32, #tpu.memory_space<hbm>> -> memref<40x125xi32, #tpu.memory_space<hbm>>
      tpu.wait_dma2 semaphore(%run_scoped3A_97 : memref<!tpu.dma_semaphore, #tpu.memory_space<semaphore_mem>>) src(%dma_wait3A_107 : memref<40x125xi32, #tpu.memory_space<hbm>>) dst(%arg4 : memref<40x125xi32, #tpu.memory_space<vmem>>)
      tpu.yield
    }) : () -> ()
    %barrier3A = arith.constant 0 : index
    tpu.barrier barrier_id(%barrier3A)
    %scan3A_86 = arith.constant 0 : i32
    %scan3A_87 = arith.constant 0 : i32
    %scan3A_88 = arith.constant 40 : i32
    %scan3A_89 = arith.addi %scan3A_87, %scan3A_88 : i32
    %scan3A_90 = arith.constant 1 : i32
    scf.for %scan3A_97 = %scan3A_87 to %scan3A_89 step %scan3A_90  : i32 {
      "tpu.region"() ({
        %run_scoped3A_98 = tpu.sem_alloc : memref<!tpu.dma_semaphore, #tpu.memory_space<semaphore_mem>>
        %dma_start3A = arith.constant 0 : i32
        %dma_start3A_99 = tpu.memref_slice %arg5[%dma_start3A] : memref<128xf32, #tpu.memory_space<vmem>> -> memref<125xf32, #tpu.memory_space<vmem>>
        %dma_start3A_100 = arith.constant 0 : i32
        %dma_start3A_101 = tpu.memref_slice %arg4[%scan3A_97, %dma_start3A_100] : memref<40x125xi32, #tpu.memory_space<vmem>> -> memref<1x125xi32, #tpu.memory_space<vmem>>
        %dma_start3A_102 = tpu.memref_squeeze %dma_start3A_101 : memref<1x125xi32, #tpu.memory_space<vmem>> -> memref<125xi32, #tpu.memory_space<vmem>>
        %dma_start3A_103 = arith.constant 0 : i32
        %dma_start3A_104 = tpu.memref_slice %arg7[%dma_start3A_103] : memref<10240xf32, #tpu.memory_space<vmem_shared>> -> memref<10240xf32, #tpu.memory_space<vmem_shared>>
        tpu.enqueue_indirect_dma source(%dma_start3A_99 : memref<125xf32, #tpu.memory_space<vmem>>) target(%dma_start3A_104 : memref<10240xf32, #tpu.memory_space<vmem_shared>>) offsets(%dma_start3A_102 : memref<125xi32, #tpu.memory_space<vmem>>) semaphore(%run_scoped3A_98 : memref<!tpu.dma_semaphore, #tpu.memory_space<semaphore_mem>>) {add = true}
        %dma_wait3A = arith.constant 0 : i32
        %dma_wait3A_105 = tpu.memref_slice %arg5[%dma_wait3A] : memref<128xf32, #tpu.memory_space<vmem>> -> memref<125xf32, #tpu.memory_space<vmem>>
        %dma_wait3A_106 = arith.constant 0 : i32
        %dma_wait3A_107 = tpu.memref_slice %arg4[%scan3A_97, %dma_wait3A_106] : memref<40x125xi32, #tpu.memory_space<vmem>> -> memref<1x125xi32, #tpu.memory_space<vmem>>
        %dma_wait3A_108 = tpu.memref_squeeze %dma_wait3A_107 : memref<1x125xi32, #tpu.memory_space<vmem>> -> memref<125xi32, #tpu.memory_space<vmem>>
        %dma_wait3A_109 = arith.constant 0 : i32
        %dma_wait3A_110 = tpu.memref_slice %arg7[%dma_wait3A_109] : memref<10240xf32, #tpu.memory_space<vmem_shared>> -> memref<10240xf32, #tpu.memory_space<vmem_shared>>
        tpu.wait_indirect_dma semaphore(%run_scoped3A_98 : memref<!tpu.dma_semaphore, #tpu.memory_space<semaphore_mem>>) src(%dma_wait3A_105 : memref<125xf32, #tpu.memory_space<vmem>>) dst(%dma_wait3A_110 : memref<10240xf32, #tpu.memory_space<vmem_shared>>)
        tpu.yield
      }) : () -> ()
    }
    %scan3A_91 = arith.constant 40 : i32
    %barrier3A_92 = arith.constant 0 : index
    tpu.barrier barrier_id(%barrier3A_92)
    %mul3A_93 = arith.constant 640 : i32
    %mul3A_94 = arith.muli %arg1, %mul3A_93 : i32
    %mul3A_95 = arith.constant 640 : i32
    %mul3A_96 = arith.muli %arg1, %mul3A_95 : i32
    "tpu.region"() ({
      %run_scoped3A_97 = tpu.sem_alloc : memref<!tpu.dma_semaphore, #tpu.memory_space<semaphore_mem>>
      %dma_start3A = tpu.memref_slice %arg3[%arg0, %mul3A_96] : memref<2x10240xf32, #tpu.memory_space<hbm>> -> memref<1x640xf32, #tpu.memory_space<hbm>>
      %dma_start3A_98 = tpu.memref_squeeze %dma_start3A : memref<1x640xf32, #tpu.memory_space<hbm>> -> memref<640xf32, #tpu.memory_space<hbm>>
      %dma_start3A_99 = tpu.memref_slice %arg7[%mul3A_94] : memref<10240xf32, #tpu.memory_space<vmem_shared>> -> memref<640xf32, #tpu.memory_space<vmem_shared>>
      tpu.enqueue_dma source(%dma_start3A_99 : memref<640xf32, #tpu.memory_space<vmem_shared>>) target(%dma_start3A_98 : memref<640xf32, #tpu.memory_space<hbm>>) target_semaphore(%run_scoped3A_97 : memref<!tpu.dma_semaphore, #tpu.memory_space<semaphore_mem>>)
      %dma_wait3A = tpu.memref_slice %arg3[%arg0, %mul3A_96] : memref<2x10240xf32, #tpu.memory_space<hbm>> -> memref<1x640xf32, #tpu.memory_space<hbm>>
      %dma_wait3A_100 = tpu.memref_squeeze %dma_wait3A : memref<1x640xf32, #tpu.memory_space<hbm>> -> memref<640xf32, #tpu.memory_space<hbm>>
      %dma_wait3A_101 = tpu.memref_slice %arg7[%mul3A_94] : memref<10240xf32, #tpu.memory_space<vmem_shared>> -> memref<640xf32, #tpu.memory_space<vmem_shared>>
      tpu.wait_dma2 semaphore(%run_scoped3A_97 : memref<!tpu.dma_semaphore, #tpu.memory_space<semaphore_mem>>) src(%dma_wait3A_101 : memref<640xf32, #tpu.memory_space<vmem_shared>>) dst(%dma_wait3A_100 : memref<640xf32, #tpu.memory_space<hbm>>)
      tpu.yield
    }) : () -> ()
    return
  }
}

#map = affine_map<(d0, d1) -> (0, 0)>
#map1 = affine_map<(d0, d1) -> (0, 0, 0, 0)>
module attributes {stable_mosaic.version = 14 : i64} {
  func.func @_agg_kernel(%arg0: i32, %arg1: i32, %arg2: memref<10240x128xf32, #tpu.memory_space<hbm>>, %arg3: memref<10240x128xf32, #tpu.memory_space<hbm>>, %arg4: memref<2x16x80x125xi32, #tpu.memory_space<hbm>>, %arg5: memref<10240x128xf32, #tpu.memory_space<hbm>>, %arg6: memref<10240x128xf32, #tpu.memory_space<hbm>>, %arg7: memref<40x125xi32, #tpu.memory_space<vmem>>, %arg8: memref<40x125xi32, #tpu.memory_space<vmem>>, %arg9: memref<2x128x128xf32, #tpu.memory_space<vmem>>, %arg10: memref<10240x128xf32, #tpu.memory_space<vmem_shared>>, %arg11: memref<!tpu.dma_semaphore, #tpu.memory_space<semaphore_mem>>, %arg12: memref<!tpu.dma_semaphore, #tpu.memory_space<semaphore_mem>>) attributes {dimension_semantics = [#tpu.dimension_semantics<core_parallel>, #tpu.dimension_semantics<subcore_parallel>], iteration_bounds = array<i64: 2, 16>, scalar_prefetch = 0 : i64, scratch_operands = 6 : i64, tpu.core_type = #tpu.core_type<sc_vector_subcore>, window_params = [{transform_indices = #map}, {transform_indices = #map}, {transform_indices = #map1}, {transform_indices = #map}, {transform_indices = #map}]} {
    %eq3A = arith.constant 0 : i32
    %eq3A_0 = arith.cmpi eq, %arg0, %eq3A : i32
    %convert_element_type3A = arith.extui %eq3A_0 : i1 to i32
    %cond3A = arith.constant 0 : i32
    %cond3A_1 = arith.cmpi ne, %convert_element_type3A, %cond3A : i32
    scf.if %cond3A_1 {
      %scan3A = arith.constant 0 : i32
      %scan3A_28 = arith.constant 0 : i32
      %scan3A_29 = arith.constant 5 : i32
      %scan3A_30 = arith.addi %scan3A_28, %scan3A_29 : i32
      %scan3A_31 = arith.constant 1 : i32
      scf.for %scan3A_33 = %scan3A_28 to %scan3A_30 step %scan3A_31  : i32 {
        %mul3A = arith.constant 640 : i32
        %mul3A_34 = arith.muli %arg1, %mul3A : i32
        %mul3A_35 = arith.constant 128 : i32
        %mul3A_36 = arith.muli %scan3A_33, %mul3A_35 : i32
        %add3A = arith.addi %mul3A_34, %mul3A_36 : i32
        %mul3A_37 = arith.constant 640 : i32
        %mul3A_38 = arith.muli %arg1, %mul3A_37 : i32
        %mul3A_39 = arith.constant 128 : i32
        %mul3A_40 = arith.muli %scan3A_33, %mul3A_39 : i32
        %add3A_41 = arith.addi %mul3A_38, %mul3A_40 : i32
        "tpu.region"() ({
          %run_scoped3A = tpu.sem_alloc : memref<!tpu.dma_semaphore, #tpu.memory_space<semaphore_mem>>
          %dma_start3A = arith.constant 0 : i32
          %dma_start3A_42 = tpu.memref_slice %arg10[%add3A_41, %dma_start3A] : memref<10240x128xf32, #tpu.memory_space<vmem_shared>> -> memref<128x128xf32, #tpu.memory_space<vmem_shared>>
          %dma_start3A_43 = arith.constant 0 : i32
          %dma_start3A_44 = tpu.memref_slice %arg2[%add3A, %dma_start3A_43] : memref<10240x128xf32, #tpu.memory_space<hbm>> -> memref<128x128xf32, #tpu.memory_space<hbm>>
          tpu.enqueue_dma source(%dma_start3A_44 : memref<128x128xf32, #tpu.memory_space<hbm>>) target(%dma_start3A_42 : memref<128x128xf32, #tpu.memory_space<vmem_shared>>) target_semaphore(%run_scoped3A : memref<!tpu.dma_semaphore, #tpu.memory_space<semaphore_mem>>)
          %dma_wait3A = arith.constant 0 : i32
          %dma_wait3A_45 = tpu.memref_slice %arg10[%add3A_41, %dma_wait3A] : memref<10240x128xf32, #tpu.memory_space<vmem_shared>> -> memref<128x128xf32, #tpu.memory_space<vmem_shared>>
          %dma_wait3A_46 = arith.constant 0 : i32
          %dma_wait3A_47 = tpu.memref_slice %arg2[%add3A, %dma_wait3A_46] : memref<10240x128xf32, #tpu.memory_space<hbm>> -> memref<128x128xf32, #tpu.memory_space<hbm>>
          tpu.wait_dma2 semaphore(%run_scoped3A : memref<!tpu.dma_semaphore, #tpu.memory_space<semaphore_mem>>) src(%dma_wait3A_47 : memref<128x128xf32, #tpu.memory_space<hbm>>) dst(%dma_wait3A_45 : memref<128x128xf32, #tpu.memory_space<vmem_shared>>)
          tpu.yield
        }) : () -> ()
      }
      %scan3A_32 = arith.constant 5 : i32
    } else {
    }
    %eq3A_2 = arith.constant 1 : i32
    %eq3A_3 = arith.cmpi eq, %arg0, %eq3A_2 : i32
    %convert_element_type3A_4 = arith.extui %eq3A_3 : i1 to i32
    %cond3A_5 = arith.constant 0 : i32
    %cond3A_6 = arith.cmpi ne, %convert_element_type3A_4, %cond3A_5 : i32
    scf.if %cond3A_6 {
      %scan3A = arith.constant 0 : i32
      %scan3A_28 = arith.constant 0 : i32
      %scan3A_29 = arith.constant 5 : i32
      %scan3A_30 = arith.addi %scan3A_28, %scan3A_29 : i32
      %scan3A_31 = arith.constant 1 : i32
      scf.for %scan3A_33 = %scan3A_28 to %scan3A_30 step %scan3A_31  : i32 {
        %mul3A = arith.constant 640 : i32
        %mul3A_34 = arith.muli %arg1, %mul3A : i32
        %mul3A_35 = arith.constant 128 : i32
        %mul3A_36 = arith.muli %scan3A_33, %mul3A_35 : i32
        %add3A = arith.addi %mul3A_34, %mul3A_36 : i32
        %mul3A_37 = arith.constant 640 : i32
        %mul3A_38 = arith.muli %arg1, %mul3A_37 : i32
        %mul3A_39 = arith.constant 128 : i32
        %mul3A_40 = arith.muli %scan3A_33, %mul3A_39 : i32
        %add3A_41 = arith.addi %mul3A_38, %mul3A_40 : i32
        "tpu.region"() ({
          %run_scoped3A = tpu.sem_alloc : memref<!tpu.dma_semaphore, #tpu.memory_space<semaphore_mem>>
          %dma_start3A = arith.constant 0 : i32
          %dma_start3A_42 = tpu.memref_slice %arg10[%add3A_41, %dma_start3A] : memref<10240x128xf32, #tpu.memory_space<vmem_shared>> -> memref<128x128xf32, #tpu.memory_space<vmem_shared>>
          %dma_start3A_43 = arith.constant 0 : i32
          %dma_start3A_44 = tpu.memref_slice %arg3[%add3A, %dma_start3A_43] : memref<10240x128xf32, #tpu.memory_space<hbm>> -> memref<128x128xf32, #tpu.memory_space<hbm>>
          tpu.enqueue_dma source(%dma_start3A_44 : memref<128x128xf32, #tpu.memory_space<hbm>>) target(%dma_start3A_42 : memref<128x128xf32, #tpu.memory_space<vmem_shared>>) target_semaphore(%run_scoped3A : memref<!tpu.dma_semaphore, #tpu.memory_space<semaphore_mem>>)
          %dma_wait3A = arith.constant 0 : i32
          %dma_wait3A_45 = tpu.memref_slice %arg10[%add3A_41, %dma_wait3A] : memref<10240x128xf32, #tpu.memory_space<vmem_shared>> -> memref<128x128xf32, #tpu.memory_space<vmem_shared>>
          %dma_wait3A_46 = arith.constant 0 : i32
          %dma_wait3A_47 = tpu.memref_slice %arg3[%add3A, %dma_wait3A_46] : memref<10240x128xf32, #tpu.memory_space<hbm>> -> memref<128x128xf32, #tpu.memory_space<hbm>>
          tpu.wait_dma2 semaphore(%run_scoped3A : memref<!tpu.dma_semaphore, #tpu.memory_space<semaphore_mem>>) src(%dma_wait3A_47 : memref<128x128xf32, #tpu.memory_space<hbm>>) dst(%dma_wait3A_45 : memref<128x128xf32, #tpu.memory_space<vmem_shared>>)
          tpu.yield
        }) : () -> ()
      }
      %scan3A_32 = arith.constant 5 : i32
    } else {
    }
    %barrier3A = arith.constant 0 : index
    tpu.barrier barrier_id(%barrier3A)
    %eq3A_7 = arith.constant 0 : i32
    %eq3A_8 = arith.cmpi eq, %arg0, %eq3A_7 : i32
    %convert_element_type3A_9 = arith.extui %eq3A_8 : i1 to i32
    %cond3A_10 = arith.constant 0 : i32
    %cond3A_11 = arith.cmpi ne, %convert_element_type3A_9, %cond3A_10 : i32
    scf.if %cond3A_11 {
      %scan3A = arith.constant 0 : i32
      %scan3A_28 = arith.constant 0 : i32
      %scan3A_29 = arith.constant 1 : i32
      %scan3A_30 = arith.constant 0 : i32
      %scan3A_31 = arith.constant 2 : i32
      %scan3A_32 = arith.addi %scan3A_30, %scan3A_31 : i32
      %scan3A_33 = arith.constant 1 : i32
      scf.for %scan3A_35 = %scan3A_30 to %scan3A_32 step %scan3A_33  : i32 {
        %mul3A = arith.constant 40 : i32
        %mul3A_36 = arith.muli %scan3A_35, %mul3A : i32
        %run_scoped3A = arith.constant 0 : i32
        "tpu.region"() ({
          %run_scoped3A_56 = tpu.sem_alloc : memref<!tpu.dma_semaphore, #tpu.memory_space<semaphore_mem>>
          %dma_start3A_57 = arith.constant 0 : i32
          %dma_start3A_58 = tpu.memref_slice %arg4[%run_scoped3A, %arg1, %mul3A_36, %dma_start3A_57] : memref<2x16x80x125xi32, #tpu.memory_space<hbm>> -> memref<1x1x40x125xi32, #tpu.memory_space<hbm>>
          %dma_start3A_59 = tpu.memref_squeeze %dma_start3A_58 : memref<1x1x40x125xi32, #tpu.memory_space<hbm>> -> memref<40x125xi32, #tpu.memory_space<hbm>>
          %dma_start3A_60 = arith.constant 0 : i32
          %dma_start3A_61 = tpu.memref_slice %arg4[%run_scoped3A, %arg1, %mul3A_36, %dma_start3A_60] : memref<2x16x80x125xi32, #tpu.memory_space<hbm>> -> memref<1x1x40x125xi32, #tpu.memory_space<hbm>>
          %dma_start3A_62 = tpu.memref_squeeze %dma_start3A_61 : memref<1x1x40x125xi32, #tpu.memory_space<hbm>> -> memref<40x125xi32, #tpu.memory_space<hbm>>
          tpu.enqueue_dma source(%dma_start3A_62 : memref<40x125xi32, #tpu.memory_space<hbm>>) target(%arg7 : memref<40x125xi32, #tpu.memory_space<vmem>>) target_semaphore(%run_scoped3A_56 : memref<!tpu.dma_semaphore, #tpu.memory_space<semaphore_mem>>)
          %dma_wait3A = arith.constant 0 : i32
          %dma_wait3A_63 = tpu.memref_slice %arg4[%run_scoped3A, %arg1, %mul3A_36, %dma_wait3A] : memref<2x16x80x125xi32, #tpu.memory_space<hbm>> -> memref<1x1x40x125xi32, #tpu.memory_space<hbm>>
          %dma_wait3A_64 = tpu.memref_squeeze %dma_wait3A_63 : memref<1x1x40x125xi32, #tpu.memory_space<hbm>> -> memref<40x125xi32, #tpu.memory_space<hbm>>
          %dma_wait3A_65 = arith.constant 0 : i32
          %dma_wait3A_66 = tpu.memref_slice %arg4[%run_scoped3A, %arg1, %mul3A_36, %dma_wait3A_65] : memref<2x16x80x125xi32, #tpu.memory_space<hbm>> -> memref<1x1x40x125xi32, #tpu.memory_space<hbm>>
          %dma_wait3A_67 = tpu.memref_squeeze %dma_wait3A_66 : memref<1x1x40x125xi32, #tpu.memory_space<hbm>> -> memref<40x125xi32, #tpu.memory_space<hbm>>
          tpu.wait_dma2 semaphore(%run_scoped3A_56 : memref<!tpu.dma_semaphore, #tpu.memory_space<semaphore_mem>>) src(%dma_wait3A_67 : memref<40x125xi32, #tpu.memory_space<hbm>>) dst(%arg7 : memref<40x125xi32, #tpu.memory_space<vmem>>)
          tpu.yield
        }) : () -> ()
        %mul3A_37 = arith.constant 40 : i32
        %mul3A_38 = arith.muli %scan3A_35, %mul3A_37 : i32
        %run_scoped3A_39 = arith.constant 1 : i32
        "tpu.region"() ({
          %run_scoped3A_56 = tpu.sem_alloc : memref<!tpu.dma_semaphore, #tpu.memory_space<semaphore_mem>>
          %dma_start3A_57 = arith.constant 0 : i32
          %dma_start3A_58 = tpu.memref_slice %arg4[%run_scoped3A_39, %arg1, %mul3A_38, %dma_start3A_57] : memref<2x16x80x125xi32, #tpu.memory_space<hbm>> -> memref<1x1x40x125xi32, #tpu.memory_space<hbm>>
          %dma_start3A_59 = tpu.memref_squeeze %dma_start3A_58 : memref<1x1x40x125xi32, #tpu.memory_space<hbm>> -> memref<40x125xi32, #tpu.memory_space<hbm>>
          %dma_start3A_60 = arith.constant 0 : i32
          %dma_start3A_61 = tpu.memref_slice %arg4[%run_scoped3A_39, %arg1, %mul3A_38, %dma_start3A_60] : memref<2x16x80x125xi32, #tpu.memory_space<hbm>> -> memref<1x1x40x125xi32, #tpu.memory_space<hbm>>
          %dma_start3A_62 = tpu.memref_squeeze %dma_start3A_61 : memref<1x1x40x125xi32, #tpu.memory_space<hbm>> -> memref<40x125xi32, #tpu.memory_space<hbm>>
          tpu.enqueue_dma source(%dma_start3A_62 : memref<40x125xi32, #tpu.memory_space<hbm>>) target(%arg8 : memref<40x125xi32, #tpu.memory_space<vmem>>) target_semaphore(%run_scoped3A_56 : memref<!tpu.dma_semaphore, #tpu.memory_space<semaphore_mem>>)
          %dma_wait3A = arith.constant 0 : i32
          %dma_wait3A_63 = tpu.memref_slice %arg4[%run_scoped3A_39, %arg1, %mul3A_38, %dma_wait3A] : memref<2x16x80x125xi32, #tpu.memory_space<hbm>> -> memref<1x1x40x125xi32, #tpu.memory_space<hbm>>
          %dma_wait3A_64 = tpu.memref_squeeze %dma_wait3A_63 : memref<1x1x40x125xi32, #tpu.memory_space<hbm>> -> memref<40x125xi32, #tpu.memory_space<hbm>>
          %dma_wait3A_65 = arith.constant 0 : i32
          %dma_wait3A_66 = tpu.memref_slice %arg4[%run_scoped3A_39, %arg1, %mul3A_38, %dma_wait3A_65] : memref<2x16x80x125xi32, #tpu.memory_space<hbm>> -> memref<1x1x40x125xi32, #tpu.memory_space<hbm>>
          %dma_wait3A_67 = tpu.memref_squeeze %dma_wait3A_66 : memref<1x1x40x125xi32, #tpu.memory_space<hbm>> -> memref<40x125xi32, #tpu.memory_space<hbm>>
          tpu.wait_dma2 semaphore(%run_scoped3A_56 : memref<!tpu.dma_semaphore, #tpu.memory_space<semaphore_mem>>) src(%dma_wait3A_67 : memref<40x125xi32, #tpu.memory_space<hbm>>) dst(%arg8 : memref<40x125xi32, #tpu.memory_space<vmem>>)
          tpu.yield
        }) : () -> ()
        %dma_start3A = arith.constant 0 : i32
        %dma_start3A_40 = arith.constant 0 : i32
        %dma_start3A_41 = arith.constant 0 : i32
        %dma_start3A_42 = tpu.memref_slice %arg9[%scan3A_28, %dma_start3A_40, %dma_start3A_41] : memref<2x128x128xf32, #tpu.memory_space<vmem>> -> memref<1x125x128xf32, #tpu.memory_space<vmem>>
        %dma_start3A_43 = tpu.memref_squeeze %dma_start3A_42 : memref<1x125x128xf32, #tpu.memory_space<vmem>> -> memref<125x128xf32, #tpu.memory_space<vmem>>
        %dma_start3A_44 = arith.constant 0 : i32
        %dma_start3A_45 = tpu.memref_slice %arg7[%dma_start3A, %dma_start3A_44] : memref<40x125xi32, #tpu.memory_space<vmem>> -> memref<1x125xi32, #tpu.memory_space<vmem>>
        %dma_start3A_46 = tpu.memref_squeeze %dma_start3A_45 : memref<1x125xi32, #tpu.memory_space<vmem>> -> memref<125xi32, #tpu.memory_space<vmem>>
        %dma_start3A_47 = arith.constant 0 : i32
        %dma_start3A_48 = arith.constant 0 : i32
        %dma_start3A_49 = tpu.memref_slice %arg2[%dma_start3A_47, %dma_start3A_48] : memref<10240x128xf32, #tpu.memory_space<hbm>> -> memref<10240x128xf32, #tpu.memory_space<hbm>>
        tpu.enqueue_indirect_dma source(%dma_start3A_49 : memref<10240x128xf32, #tpu.memory_space<hbm>>) target(%dma_start3A_43 : memref<125x128xf32, #tpu.memory_space<vmem>>) offsets(%dma_start3A_46 : memref<125xi32, #tpu.memory_space<vmem>>) semaphore(%arg11 : memref<!tpu.dma_semaphore, #tpu.memory_space<semaphore_mem>>)
        %scan3A_50 = arith.constant 0 : i32
        %scan3A_51 = arith.constant 0 : i32
        %scan3A_52 = arith.constant 20 : i32
        %scan3A_53 = arith.addi %scan3A_51, %scan3A_52 : i32
        %scan3A_54 = arith.constant 1 : i32
        scf.for %scan3A_56 = %scan3A_51 to %scan3A_53 step %scan3A_54  : i32 {
          %mul3A_57 = arith.constant 2 : i32
          %mul3A_58 = arith.muli %mul3A_57, %scan3A_56 : i32
          %mul3A_59 = arith.constant 2 : i32
          %mul3A_60 = arith.muli %mul3A_59, %scan3A_56 : i32
          %add3A = arith.constant 1 : i32
          %add3A_61 = arith.addi %mul3A_60, %add3A : i32
          %dma_start3A_62 = arith.constant 0 : i32
          %dma_start3A_63 = arith.constant 0 : i32
          %dma_start3A_64 = tpu.memref_slice %arg9[%scan3A_29, %dma_start3A_62, %dma_start3A_63] : memref<2x128x128xf32, #tpu.memory_space<vmem>> -> memref<1x125x128xf32, #tpu.memory_space<vmem>>
          %dma_start3A_65 = tpu.memref_squeeze %dma_start3A_64 : memref<1x125x128xf32, #tpu.memory_space<vmem>> -> memref<125x128xf32, #tpu.memory_space<vmem>>
          %dma_start3A_66 = arith.constant 0 : i32
          %dma_start3A_67 = tpu.memref_slice %arg7[%add3A_61, %dma_start3A_66] : memref<40x125xi32, #tpu.memory_space<vmem>> -> memref<1x125xi32, #tpu.memory_space<vmem>>
          %dma_start3A_68 = tpu.memref_squeeze %dma_start3A_67 : memref<1x125xi32, #tpu.memory_space<vmem>> -> memref<125xi32, #tpu.memory_space<vmem>>
          %dma_start3A_69 = arith.constant 0 : i32
          %dma_start3A_70 = arith.constant 0 : i32
          %dma_start3A_71 = tpu.memref_slice %arg2[%dma_start3A_69, %dma_start3A_70] : memref<10240x128xf32, #tpu.memory_space<hbm>> -> memref<10240x128xf32, #tpu.memory_space<hbm>>
          tpu.enqueue_indirect_dma source(%dma_start3A_71 : memref<10240x128xf32, #tpu.memory_space<hbm>>) target(%dma_start3A_65 : memref<125x128xf32, #tpu.memory_space<vmem>>) offsets(%dma_start3A_68 : memref<125xi32, #tpu.memory_space<vmem>>) semaphore(%arg12 : memref<!tpu.dma_semaphore, #tpu.memory_space<semaphore_mem>>)
          %dma_wait3A = arith.constant 0 : i32
          %dma_wait3A_72 = arith.constant 0 : i32
          %dma_wait3A_73 = tpu.memref_slice %arg9[%scan3A_28, %dma_wait3A, %dma_wait3A_72] : memref<2x128x128xf32, #tpu.memory_space<vmem>> -> memref<1x125x128xf32, #tpu.memory_space<vmem>>
          %dma_wait3A_74 = tpu.memref_squeeze %dma_wait3A_73 : memref<1x125x128xf32, #tpu.memory_space<vmem>> -> memref<125x128xf32, #tpu.memory_space<vmem>>
          %dma_wait3A_75 = arith.constant 0 : i32
          %dma_wait3A_76 = tpu.memref_slice %arg7[%mul3A_58, %dma_wait3A_75] : memref<40x125xi32, #tpu.memory_space<vmem>> -> memref<1x125xi32, #tpu.memory_space<vmem>>
          %dma_wait3A_77 = tpu.memref_squeeze %dma_wait3A_76 : memref<1x125xi32, #tpu.memory_space<vmem>> -> memref<125xi32, #tpu.memory_space<vmem>>
          %dma_wait3A_78 = arith.constant 0 : i32
          %dma_wait3A_79 = arith.constant 0 : i32
          %dma_wait3A_80 = tpu.memref_slice %arg2[%dma_wait3A_78, %dma_wait3A_79] : memref<10240x128xf32, #tpu.memory_space<hbm>> -> memref<10240x128xf32, #tpu.memory_space<hbm>>
          tpu.wait_indirect_dma semaphore(%arg11 : memref<!tpu.dma_semaphore, #tpu.memory_space<semaphore_mem>>) src(%dma_wait3A_80 : memref<10240x128xf32, #tpu.memory_space<hbm>>) dst(%dma_wait3A_74 : memref<125x128xf32, #tpu.memory_space<vmem>>)
          "tpu.region"() ({
            %run_scoped3A_97 = tpu.sem_alloc : memref<!tpu.dma_semaphore, #tpu.memory_space<semaphore_mem>>
            %dma_start3A_98 = arith.constant 0 : i32
            %dma_start3A_99 = arith.constant 0 : i32
            %dma_start3A_100 = tpu.memref_slice %arg9[%scan3A_28, %dma_start3A_98, %dma_start3A_99] : memref<2x128x128xf32, #tpu.memory_space<vmem>> -> memref<1x125x128xf32, #tpu.memory_space<vmem>>
            %dma_start3A_101 = tpu.memref_squeeze %dma_start3A_100 : memref<1x125x128xf32, #tpu.memory_space<vmem>> -> memref<125x128xf32, #tpu.memory_space<vmem>>
            %dma_start3A_102 = arith.constant 0 : i32
            %dma_start3A_103 = tpu.memref_slice %arg8[%mul3A_58, %dma_start3A_102] : memref<40x125xi32, #tpu.memory_space<vmem>> -> memref<1x125xi32, #tpu.memory_space<vmem>>
            %dma_start3A_104 = tpu.memref_squeeze %dma_start3A_103 : memref<1x125xi32, #tpu.memory_space<vmem>> -> memref<125xi32, #tpu.memory_space<vmem>>
            %dma_start3A_105 = arith.constant 0 : i32
            %dma_start3A_106 = arith.constant 0 : i32
            %dma_start3A_107 = tpu.memref_slice %arg10[%dma_start3A_105, %dma_start3A_106] : memref<10240x128xf32, #tpu.memory_space<vmem_shared>> -> memref<10240x128xf32, #tpu.memory_space<vmem_shared>>
            tpu.enqueue_indirect_dma source(%dma_start3A_101 : memref<125x128xf32, #tpu.memory_space<vmem>>) target(%dma_start3A_107 : memref<10240x128xf32, #tpu.memory_space<vmem_shared>>) offsets(%dma_start3A_104 : memref<125xi32, #tpu.memory_space<vmem>>) semaphore(%run_scoped3A_97 : memref<!tpu.dma_semaphore, #tpu.memory_space<semaphore_mem>>) {add = true}
            %dma_wait3A_108 = arith.constant 0 : i32
            %dma_wait3A_109 = arith.constant 0 : i32
            %dma_wait3A_110 = tpu.memref_slice %arg9[%scan3A_28, %dma_wait3A_108, %dma_wait3A_109] : memref<2x128x128xf32, #tpu.memory_space<vmem>> -> memref<1x125x128xf32, #tpu.memory_space<vmem>>
            %dma_wait3A_111 = tpu.memref_squeeze %dma_wait3A_110 : memref<1x125x128xf32, #tpu.memory_space<vmem>> -> memref<125x128xf32, #tpu.memory_space<vmem>>
            %dma_wait3A_112 = arith.constant 0 : i32
            %dma_wait3A_113 = tpu.memref_slice %arg8[%mul3A_58, %dma_wait3A_112] : memref<40x125xi32, #tpu.memory_space<vmem>> -> memref<1x125xi32, #tpu.memory_space<vmem>>
            %dma_wait3A_114 = tpu.memref_squeeze %dma_wait3A_113 : memref<1x125xi32, #tpu.memory_space<vmem>> -> memref<125xi32, #tpu.memory_space<vmem>>
            %dma_wait3A_115 = arith.constant 0 : i32
            %dma_wait3A_116 = arith.constant 0 : i32
            %dma_wait3A_117 = tpu.memref_slice %arg10[%dma_wait3A_115, %dma_wait3A_116] : memref<10240x128xf32, #tpu.memory_space<vmem_shared>> -> memref<10240x128xf32, #tpu.memory_space<vmem_shared>>
            tpu.wait_indirect_dma semaphore(%run_scoped3A_97 : memref<!tpu.dma_semaphore, #tpu.memory_space<semaphore_mem>>) src(%dma_wait3A_111 : memref<125x128xf32, #tpu.memory_space<vmem>>) dst(%dma_wait3A_117 : memref<10240x128xf32, #tpu.memory_space<vmem_shared>>)
            tpu.yield
          }) : () -> ()
          %add3A_81 = arith.constant 2 : i32
          %add3A_82 = arith.addi %mul3A_58, %add3A_81 : i32
          %lt3A = arith.constant 40 : i32
          %lt3A_83 = arith.cmpi slt, %add3A_82, %lt3A : i32
          %convert_element_type3A_84 = arith.extui %lt3A_83 : i1 to i32
          %cond3A_85 = arith.constant 0 : i32
          %cond3A_86 = arith.cmpi ne, %convert_element_type3A_84, %cond3A_85 : i32
          scf.if %cond3A_86 {
            %add3A_97 = arith.constant 2 : i32
            %add3A_98 = arith.addi %mul3A_58, %add3A_97 : i32
            %dma_start3A_99 = arith.constant 0 : i32
            %dma_start3A_100 = arith.constant 0 : i32
            %dma_start3A_101 = tpu.memref_slice %arg9[%scan3A_28, %dma_start3A_99, %dma_start3A_100] : memref<2x128x128xf32, #tpu.memory_space<vmem>> -> memref<1x125x128xf32, #tpu.memory_space<vmem>>
            %dma_start3A_102 = tpu.memref_squeeze %dma_start3A_101 : memref<1x125x128xf32, #tpu.memory_space<vmem>> -> memref<125x128xf32, #tpu.memory_space<vmem>>
            %dma_start3A_103 = arith.constant 0 : i32
            %dma_start3A_104 = tpu.memref_slice %arg7[%add3A_98, %dma_start3A_103] : memref<40x125xi32, #tpu.memory_space<vmem>> -> memref<1x125xi32, #tpu.memory_space<vmem>>
            %dma_start3A_105 = tpu.memref_squeeze %dma_start3A_104 : memref<1x125xi32, #tpu.memory_space<vmem>> -> memref<125xi32, #tpu.memory_space<vmem>>
            %dma_start3A_106 = arith.constant 0 : i32
            %dma_start3A_107 = arith.constant 0 : i32
            %dma_start3A_108 = tpu.memref_slice %arg2[%dma_start3A_106, %dma_start3A_107] : memref<10240x128xf32, #tpu.memory_space<hbm>> -> memref<10240x128xf32, #tpu.memory_space<hbm>>
            tpu.enqueue_indirect_dma source(%dma_start3A_108 : memref<10240x128xf32, #tpu.memory_space<hbm>>) target(%dma_start3A_102 : memref<125x128xf32, #tpu.memory_space<vmem>>) offsets(%dma_start3A_105 : memref<125xi32, #tpu.memory_space<vmem>>) semaphore(%arg11 : memref<!tpu.dma_semaphore, #tpu.memory_space<semaphore_mem>>)
          } else {
          }
          %dma_wait3A_87 = arith.constant 0 : i32
          %dma_wait3A_88 = arith.constant 0 : i32
          %dma_wait3A_89 = tpu.memref_slice %arg9[%scan3A_29, %dma_wait3A_87, %dma_wait3A_88] : memref<2x128x128xf32, #tpu.memory_space<vmem>> -> memref<1x125x128xf32, #tpu.memory_space<vmem>>
          %dma_wait3A_90 = tpu.memref_squeeze %dma_wait3A_89 : memref<1x125x128xf32, #tpu.memory_space<vmem>> -> memref<125x128xf32, #tpu.memory_space<vmem>>
          %dma_wait3A_91 = arith.constant 0 : i32
          %dma_wait3A_92 = tpu.memref_slice %arg7[%add3A_61, %dma_wait3A_91] : memref<40x125xi32, #tpu.memory_space<vmem>> -> memref<1x125xi32, #tpu.memory_space<vmem>>
          %dma_wait3A_93 = tpu.memref_squeeze %dma_wait3A_92 : memref<1x125xi32, #tpu.memory_space<vmem>> -> memref<125xi32, #tpu.memory_space<vmem>>
          %dma_wait3A_94 = arith.constant 0 : i32
          %dma_wait3A_95 = arith.constant 0 : i32
          %dma_wait3A_96 = tpu.memref_slice %arg2[%dma_wait3A_94, %dma_wait3A_95] : memref<10240x128xf32, #tpu.memory_space<hbm>> -> memref<10240x128xf32, #tpu.memory_space<hbm>>
          tpu.wait_indirect_dma semaphore(%arg12 : memref<!tpu.dma_semaphore, #tpu.memory_space<semaphore_mem>>) src(%dma_wait3A_96 : memref<10240x128xf32, #tpu.memory_space<hbm>>) dst(%dma_wait3A_90 : memref<125x128xf32, #tpu.memory_space<vmem>>)
          "tpu.region"() ({
            %run_scoped3A_97 = tpu.sem_alloc : memref<!tpu.dma_semaphore, #tpu.memory_space<semaphore_mem>>
            %dma_start3A_98 = arith.constant 0 : i32
            %dma_start3A_99 = arith.constant 0 : i32
            %dma_start3A_100 = tpu.memref_slice %arg9[%scan3A_29, %dma_start3A_98, %dma_start3A_99] : memref<2x128x128xf32, #tpu.memory_space<vmem>> -> memref<1x125x128xf32, #tpu.memory_space<vmem>>
            %dma_start3A_101 = tpu.memref_squeeze %dma_start3A_100 : memref<1x125x128xf32, #tpu.memory_space<vmem>> -> memref<125x128xf32, #tpu.memory_space<vmem>>
            %dma_start3A_102 = arith.constant 0 : i32
            %dma_start3A_103 = tpu.memref_slice %arg8[%add3A_61, %dma_start3A_102] : memref<40x125xi32, #tpu.memory_space<vmem>> -> memref<1x125xi32, #tpu.memory_space<vmem>>
            %dma_start3A_104 = tpu.memref_squeeze %dma_start3A_103 : memref<1x125xi32, #tpu.memory_space<vmem>> -> memref<125xi32, #tpu.memory_space<vmem>>
            %dma_start3A_105 = arith.constant 0 : i32
            %dma_start3A_106 = arith.constant 0 : i32
            %dma_start3A_107 = tpu.memref_slice %arg10[%dma_start3A_105, %dma_start3A_106] : memref<10240x128xf32, #tpu.memory_space<vmem_shared>> -> memref<10240x128xf32, #tpu.memory_space<vmem_shared>>
            tpu.enqueue_indirect_dma source(%dma_start3A_101 : memref<125x128xf32, #tpu.memory_space<vmem>>) target(%dma_start3A_107 : memref<10240x128xf32, #tpu.memory_space<vmem_shared>>) offsets(%dma_start3A_104 : memref<125xi32, #tpu.memory_space<vmem>>) semaphore(%run_scoped3A_97 : memref<!tpu.dma_semaphore, #tpu.memory_space<semaphore_mem>>) {add = true}
            %dma_wait3A_108 = arith.constant 0 : i32
            %dma_wait3A_109 = arith.constant 0 : i32
            %dma_wait3A_110 = tpu.memref_slice %arg9[%scan3A_29, %dma_wait3A_108, %dma_wait3A_109] : memref<2x128x128xf32, #tpu.memory_space<vmem>> -> memref<1x125x128xf32, #tpu.memory_space<vmem>>
            %dma_wait3A_111 = tpu.memref_squeeze %dma_wait3A_110 : memref<1x125x128xf32, #tpu.memory_space<vmem>> -> memref<125x128xf32, #tpu.memory_space<vmem>>
            %dma_wait3A_112 = arith.constant 0 : i32
            %dma_wait3A_113 = tpu.memref_slice %arg8[%add3A_61, %dma_wait3A_112] : memref<40x125xi32, #tpu.memory_space<vmem>> -> memref<1x125xi32, #tpu.memory_space<vmem>>
            %dma_wait3A_114 = tpu.memref_squeeze %dma_wait3A_113 : memref<1x125xi32, #tpu.memory_space<vmem>> -> memref<125xi32, #tpu.memory_space<vmem>>
            %dma_wait3A_115 = arith.constant 0 : i32
            %dma_wait3A_116 = arith.constant 0 : i32
            %dma_wait3A_117 = tpu.memref_slice %arg10[%dma_wait3A_115, %dma_wait3A_116] : memref<10240x128xf32, #tpu.memory_space<vmem_shared>> -> memref<10240x128xf32, #tpu.memory_space<vmem_shared>>
            tpu.wait_indirect_dma semaphore(%run_scoped3A_97 : memref<!tpu.dma_semaphore, #tpu.memory_space<semaphore_mem>>) src(%dma_wait3A_111 : memref<125x128xf32, #tpu.memory_space<vmem>>) dst(%dma_wait3A_117 : memref<10240x128xf32, #tpu.memory_space<vmem_shared>>)
            tpu.yield
          }) : () -> ()
        }
        %scan3A_55 = arith.constant 20 : i32
      }
      %scan3A_34 = arith.constant 2 : i32
    } else {
    }
    %eq3A_12 = arith.constant 1 : i32
    %eq3A_13 = arith.cmpi eq, %arg0, %eq3A_12 : i32
    %convert_element_type3A_14 = arith.extui %eq3A_13 : i1 to i32
    %cond3A_15 = arith.constant 0 : i32
    %cond3A_16 = arith.cmpi ne, %convert_element_type3A_14, %cond3A_15 : i32
    scf.if %cond3A_16 {
      %scan3A = arith.constant 0 : i32
      %scan3A_28 = arith.constant 0 : i32
      %scan3A_29 = arith.constant 1 : i32
      %scan3A_30 = arith.constant 0 : i32
      %scan3A_31 = arith.constant 2 : i32
      %scan3A_32 = arith.addi %scan3A_30, %scan3A_31 : i32
      %scan3A_33 = arith.constant 1 : i32
      scf.for %scan3A_35 = %scan3A_30 to %scan3A_32 step %scan3A_33  : i32 {
        %mul3A = arith.constant 40 : i32
        %mul3A_36 = arith.muli %scan3A_35, %mul3A : i32
        %run_scoped3A = arith.constant 0 : i32
        "tpu.region"() ({
          %run_scoped3A_56 = tpu.sem_alloc : memref<!tpu.dma_semaphore, #tpu.memory_space<semaphore_mem>>
          %dma_start3A_57 = arith.constant 0 : i32
          %dma_start3A_58 = tpu.memref_slice %arg4[%run_scoped3A, %arg1, %mul3A_36, %dma_start3A_57] : memref<2x16x80x125xi32, #tpu.memory_space<hbm>> -> memref<1x1x40x125xi32, #tpu.memory_space<hbm>>
          %dma_start3A_59 = tpu.memref_squeeze %dma_start3A_58 : memref<1x1x40x125xi32, #tpu.memory_space<hbm>> -> memref<40x125xi32, #tpu.memory_space<hbm>>
          %dma_start3A_60 = arith.constant 0 : i32
          %dma_start3A_61 = tpu.memref_slice %arg4[%run_scoped3A, %arg1, %mul3A_36, %dma_start3A_60] : memref<2x16x80x125xi32, #tpu.memory_space<hbm>> -> memref<1x1x40x125xi32, #tpu.memory_space<hbm>>
          %dma_start3A_62 = tpu.memref_squeeze %dma_start3A_61 : memref<1x1x40x125xi32, #tpu.memory_space<hbm>> -> memref<40x125xi32, #tpu.memory_space<hbm>>
          tpu.enqueue_dma source(%dma_start3A_62 : memref<40x125xi32, #tpu.memory_space<hbm>>) target(%arg7 : memref<40x125xi32, #tpu.memory_space<vmem>>) target_semaphore(%run_scoped3A_56 : memref<!tpu.dma_semaphore, #tpu.memory_space<semaphore_mem>>)
          %dma_wait3A = arith.constant 0 : i32
          %dma_wait3A_63 = tpu.memref_slice %arg4[%run_scoped3A, %arg1, %mul3A_36, %dma_wait3A] : memref<2x16x80x125xi32, #tpu.memory_space<hbm>> -> memref<1x1x40x125xi32, #tpu.memory_space<hbm>>
          %dma_wait3A_64 = tpu.memref_squeeze %dma_wait3A_63 : memref<1x1x40x125xi32, #tpu.memory_space<hbm>> -> memref<40x125xi32, #tpu.memory_space<hbm>>
          %dma_wait3A_65 = arith.constant 0 : i32
          %dma_wait3A_66 = tpu.memref_slice %arg4[%run_scoped3A, %arg1, %mul3A_36, %dma_wait3A_65] : memref<2x16x80x125xi32, #tpu.memory_space<hbm>> -> memref<1x1x40x125xi32, #tpu.memory_space<hbm>>
          %dma_wait3A_67 = tpu.memref_squeeze %dma_wait3A_66 : memref<1x1x40x125xi32, #tpu.memory_space<hbm>> -> memref<40x125xi32, #tpu.memory_space<hbm>>
          tpu.wait_dma2 semaphore(%run_scoped3A_56 : memref<!tpu.dma_semaphore, #tpu.memory_space<semaphore_mem>>) src(%dma_wait3A_67 : memref<40x125xi32, #tpu.memory_space<hbm>>) dst(%arg7 : memref<40x125xi32, #tpu.memory_space<vmem>>)
          tpu.yield
        }) : () -> ()
        %mul3A_37 = arith.constant 40 : i32
        %mul3A_38 = arith.muli %scan3A_35, %mul3A_37 : i32
        %run_scoped3A_39 = arith.constant 1 : i32
        "tpu.region"() ({
          %run_scoped3A_56 = tpu.sem_alloc : memref<!tpu.dma_semaphore, #tpu.memory_space<semaphore_mem>>
          %dma_start3A_57 = arith.constant 0 : i32
          %dma_start3A_58 = tpu.memref_slice %arg4[%run_scoped3A_39, %arg1, %mul3A_38, %dma_start3A_57] : memref<2x16x80x125xi32, #tpu.memory_space<hbm>> -> memref<1x1x40x125xi32, #tpu.memory_space<hbm>>
          %dma_start3A_59 = tpu.memref_squeeze %dma_start3A_58 : memref<1x1x40x125xi32, #tpu.memory_space<hbm>> -> memref<40x125xi32, #tpu.memory_space<hbm>>
          %dma_start3A_60 = arith.constant 0 : i32
          %dma_start3A_61 = tpu.memref_slice %arg4[%run_scoped3A_39, %arg1, %mul3A_38, %dma_start3A_60] : memref<2x16x80x125xi32, #tpu.memory_space<hbm>> -> memref<1x1x40x125xi32, #tpu.memory_space<hbm>>
          %dma_start3A_62 = tpu.memref_squeeze %dma_start3A_61 : memref<1x1x40x125xi32, #tpu.memory_space<hbm>> -> memref<40x125xi32, #tpu.memory_space<hbm>>
          tpu.enqueue_dma source(%dma_start3A_62 : memref<40x125xi32, #tpu.memory_space<hbm>>) target(%arg8 : memref<40x125xi32, #tpu.memory_space<vmem>>) target_semaphore(%run_scoped3A_56 : memref<!tpu.dma_semaphore, #tpu.memory_space<semaphore_mem>>)
          %dma_wait3A = arith.constant 0 : i32
          %dma_wait3A_63 = tpu.memref_slice %arg4[%run_scoped3A_39, %arg1, %mul3A_38, %dma_wait3A] : memref<2x16x80x125xi32, #tpu.memory_space<hbm>> -> memref<1x1x40x125xi32, #tpu.memory_space<hbm>>
          %dma_wait3A_64 = tpu.memref_squeeze %dma_wait3A_63 : memref<1x1x40x125xi32, #tpu.memory_space<hbm>> -> memref<40x125xi32, #tpu.memory_space<hbm>>
          %dma_wait3A_65 = arith.constant 0 : i32
          %dma_wait3A_66 = tpu.memref_slice %arg4[%run_scoped3A_39, %arg1, %mul3A_38, %dma_wait3A_65] : memref<2x16x80x125xi32, #tpu.memory_space<hbm>> -> memref<1x1x40x125xi32, #tpu.memory_space<hbm>>
          %dma_wait3A_67 = tpu.memref_squeeze %dma_wait3A_66 : memref<1x1x40x125xi32, #tpu.memory_space<hbm>> -> memref<40x125xi32, #tpu.memory_space<hbm>>
          tpu.wait_dma2 semaphore(%run_scoped3A_56 : memref<!tpu.dma_semaphore, #tpu.memory_space<semaphore_mem>>) src(%dma_wait3A_67 : memref<40x125xi32, #tpu.memory_space<hbm>>) dst(%arg8 : memref<40x125xi32, #tpu.memory_space<vmem>>)
          tpu.yield
        }) : () -> ()
        %dma_start3A = arith.constant 0 : i32
        %dma_start3A_40 = arith.constant 0 : i32
        %dma_start3A_41 = arith.constant 0 : i32
        %dma_start3A_42 = tpu.memref_slice %arg9[%scan3A_28, %dma_start3A_40, %dma_start3A_41] : memref<2x128x128xf32, #tpu.memory_space<vmem>> -> memref<1x125x128xf32, #tpu.memory_space<vmem>>
        %dma_start3A_43 = tpu.memref_squeeze %dma_start3A_42 : memref<1x125x128xf32, #tpu.memory_space<vmem>> -> memref<125x128xf32, #tpu.memory_space<vmem>>
        %dma_start3A_44 = arith.constant 0 : i32
        %dma_start3A_45 = tpu.memref_slice %arg7[%dma_start3A, %dma_start3A_44] : memref<40x125xi32, #tpu.memory_space<vmem>> -> memref<1x125xi32, #tpu.memory_space<vmem>>
        %dma_start3A_46 = tpu.memref_squeeze %dma_start3A_45 : memref<1x125xi32, #tpu.memory_space<vmem>> -> memref<125xi32, #tpu.memory_space<vmem>>
        %dma_start3A_47 = arith.constant 0 : i32
        %dma_start3A_48 = arith.constant 0 : i32
        %dma_start3A_49 = tpu.memref_slice %arg3[%dma_start3A_47, %dma_start3A_48] : memref<10240x128xf32, #tpu.memory_space<hbm>> -> memref<10240x128xf32, #tpu.memory_space<hbm>>
        tpu.enqueue_indirect_dma source(%dma_start3A_49 : memref<10240x128xf32, #tpu.memory_space<hbm>>) target(%dma_start3A_43 : memref<125x128xf32, #tpu.memory_space<vmem>>) offsets(%dma_start3A_46 : memref<125xi32, #tpu.memory_space<vmem>>) semaphore(%arg11 : memref<!tpu.dma_semaphore, #tpu.memory_space<semaphore_mem>>)
        %scan3A_50 = arith.constant 0 : i32
        %scan3A_51 = arith.constant 0 : i32
        %scan3A_52 = arith.constant 20 : i32
        %scan3A_53 = arith.addi %scan3A_51, %scan3A_52 : i32
        %scan3A_54 = arith.constant 1 : i32
        scf.for %scan3A_56 = %scan3A_51 to %scan3A_53 step %scan3A_54  : i32 {
          %mul3A_57 = arith.constant 2 : i32
          %mul3A_58 = arith.muli %mul3A_57, %scan3A_56 : i32
          %mul3A_59 = arith.constant 2 : i32
          %mul3A_60 = arith.muli %mul3A_59, %scan3A_56 : i32
          %add3A = arith.constant 1 : i32
          %add3A_61 = arith.addi %mul3A_60, %add3A : i32
          %dma_start3A_62 = arith.constant 0 : i32
          %dma_start3A_63 = arith.constant 0 : i32
          %dma_start3A_64 = tpu.memref_slice %arg9[%scan3A_29, %dma_start3A_62, %dma_start3A_63] : memref<2x128x128xf32, #tpu.memory_space<vmem>> -> memref<1x125x128xf32, #tpu.memory_space<vmem>>
          %dma_start3A_65 = tpu.memref_squeeze %dma_start3A_64 : memref<1x125x128xf32, #tpu.memory_space<vmem>> -> memref<125x128xf32, #tpu.memory_space<vmem>>
          %dma_start3A_66 = arith.constant 0 : i32
          %dma_start3A_67 = tpu.memref_slice %arg7[%add3A_61, %dma_start3A_66] : memref<40x125xi32, #tpu.memory_space<vmem>> -> memref<1x125xi32, #tpu.memory_space<vmem>>
          %dma_start3A_68 = tpu.memref_squeeze %dma_start3A_67 : memref<1x125xi32, #tpu.memory_space<vmem>> -> memref<125xi32, #tpu.memory_space<vmem>>
          %dma_start3A_69 = arith.constant 0 : i32
          %dma_start3A_70 = arith.constant 0 : i32
          %dma_start3A_71 = tpu.memref_slice %arg3[%dma_start3A_69, %dma_start3A_70] : memref<10240x128xf32, #tpu.memory_space<hbm>> -> memref<10240x128xf32, #tpu.memory_space<hbm>>
          tpu.enqueue_indirect_dma source(%dma_start3A_71 : memref<10240x128xf32, #tpu.memory_space<hbm>>) target(%dma_start3A_65 : memref<125x128xf32, #tpu.memory_space<vmem>>) offsets(%dma_start3A_68 : memref<125xi32, #tpu.memory_space<vmem>>) semaphore(%arg12 : memref<!tpu.dma_semaphore, #tpu.memory_space<semaphore_mem>>)
          %dma_wait3A = arith.constant 0 : i32
          %dma_wait3A_72 = arith.constant 0 : i32
          %dma_wait3A_73 = tpu.memref_slice %arg9[%scan3A_28, %dma_wait3A, %dma_wait3A_72] : memref<2x128x128xf32, #tpu.memory_space<vmem>> -> memref<1x125x128xf32, #tpu.memory_space<vmem>>
          %dma_wait3A_74 = tpu.memref_squeeze %dma_wait3A_73 : memref<1x125x128xf32, #tpu.memory_space<vmem>> -> memref<125x128xf32, #tpu.memory_space<vmem>>
          %dma_wait3A_75 = arith.constant 0 : i32
          %dma_wait3A_76 = tpu.memref_slice %arg7[%mul3A_58, %dma_wait3A_75] : memref<40x125xi32, #tpu.memory_space<vmem>> -> memref<1x125xi32, #tpu.memory_space<vmem>>
          %dma_wait3A_77 = tpu.memref_squeeze %dma_wait3A_76 : memref<1x125xi32, #tpu.memory_space<vmem>> -> memref<125xi32, #tpu.memory_space<vmem>>
          %dma_wait3A_78 = arith.constant 0 : i32
          %dma_wait3A_79 = arith.constant 0 : i32
          %dma_wait3A_80 = tpu.memref_slice %arg3[%dma_wait3A_78, %dma_wait3A_79] : memref<10240x128xf32, #tpu.memory_space<hbm>> -> memref<10240x128xf32, #tpu.memory_space<hbm>>
          tpu.wait_indirect_dma semaphore(%arg11 : memref<!tpu.dma_semaphore, #tpu.memory_space<semaphore_mem>>) src(%dma_wait3A_80 : memref<10240x128xf32, #tpu.memory_space<hbm>>) dst(%dma_wait3A_74 : memref<125x128xf32, #tpu.memory_space<vmem>>)
          "tpu.region"() ({
            %run_scoped3A_97 = tpu.sem_alloc : memref<!tpu.dma_semaphore, #tpu.memory_space<semaphore_mem>>
            %dma_start3A_98 = arith.constant 0 : i32
            %dma_start3A_99 = arith.constant 0 : i32
            %dma_start3A_100 = tpu.memref_slice %arg9[%scan3A_28, %dma_start3A_98, %dma_start3A_99] : memref<2x128x128xf32, #tpu.memory_space<vmem>> -> memref<1x125x128xf32, #tpu.memory_space<vmem>>
            %dma_start3A_101 = tpu.memref_squeeze %dma_start3A_100 : memref<1x125x128xf32, #tpu.memory_space<vmem>> -> memref<125x128xf32, #tpu.memory_space<vmem>>
            %dma_start3A_102 = arith.constant 0 : i32
            %dma_start3A_103 = tpu.memref_slice %arg8[%mul3A_58, %dma_start3A_102] : memref<40x125xi32, #tpu.memory_space<vmem>> -> memref<1x125xi32, #tpu.memory_space<vmem>>
            %dma_start3A_104 = tpu.memref_squeeze %dma_start3A_103 : memref<1x125xi32, #tpu.memory_space<vmem>> -> memref<125xi32, #tpu.memory_space<vmem>>
            %dma_start3A_105 = arith.constant 0 : i32
            %dma_start3A_106 = arith.constant 0 : i32
            %dma_start3A_107 = tpu.memref_slice %arg10[%dma_start3A_105, %dma_start3A_106] : memref<10240x128xf32, #tpu.memory_space<vmem_shared>> -> memref<10240x128xf32, #tpu.memory_space<vmem_shared>>
            tpu.enqueue_indirect_dma source(%dma_start3A_101 : memref<125x128xf32, #tpu.memory_space<vmem>>) target(%dma_start3A_107 : memref<10240x128xf32, #tpu.memory_space<vmem_shared>>) offsets(%dma_start3A_104 : memref<125xi32, #tpu.memory_space<vmem>>) semaphore(%run_scoped3A_97 : memref<!tpu.dma_semaphore, #tpu.memory_space<semaphore_mem>>) {add = true}
            %dma_wait3A_108 = arith.constant 0 : i32
            %dma_wait3A_109 = arith.constant 0 : i32
            %dma_wait3A_110 = tpu.memref_slice %arg9[%scan3A_28, %dma_wait3A_108, %dma_wait3A_109] : memref<2x128x128xf32, #tpu.memory_space<vmem>> -> memref<1x125x128xf32, #tpu.memory_space<vmem>>
            %dma_wait3A_111 = tpu.memref_squeeze %dma_wait3A_110 : memref<1x125x128xf32, #tpu.memory_space<vmem>> -> memref<125x128xf32, #tpu.memory_space<vmem>>
            %dma_wait3A_112 = arith.constant 0 : i32
            %dma_wait3A_113 = tpu.memref_slice %arg8[%mul3A_58, %dma_wait3A_112] : memref<40x125xi32, #tpu.memory_space<vmem>> -> memref<1x125xi32, #tpu.memory_space<vmem>>
            %dma_wait3A_114 = tpu.memref_squeeze %dma_wait3A_113 : memref<1x125xi32, #tpu.memory_space<vmem>> -> memref<125xi32, #tpu.memory_space<vmem>>
            %dma_wait3A_115 = arith.constant 0 : i32
            %dma_wait3A_116 = arith.constant 0 : i32
            %dma_wait3A_117 = tpu.memref_slice %arg10[%dma_wait3A_115, %dma_wait3A_116] : memref<10240x128xf32, #tpu.memory_space<vmem_shared>> -> memref<10240x128xf32, #tpu.memory_space<vmem_shared>>
            tpu.wait_indirect_dma semaphore(%run_scoped3A_97 : memref<!tpu.dma_semaphore, #tpu.memory_space<semaphore_mem>>) src(%dma_wait3A_111 : memref<125x128xf32, #tpu.memory_space<vmem>>) dst(%dma_wait3A_117 : memref<10240x128xf32, #tpu.memory_space<vmem_shared>>)
            tpu.yield
          }) : () -> ()
          %add3A_81 = arith.constant 2 : i32
          %add3A_82 = arith.addi %mul3A_58, %add3A_81 : i32
          %lt3A = arith.constant 40 : i32
          %lt3A_83 = arith.cmpi slt, %add3A_82, %lt3A : i32
          %convert_element_type3A_84 = arith.extui %lt3A_83 : i1 to i32
          %cond3A_85 = arith.constant 0 : i32
          %cond3A_86 = arith.cmpi ne, %convert_element_type3A_84, %cond3A_85 : i32
          scf.if %cond3A_86 {
            %add3A_97 = arith.constant 2 : i32
            %add3A_98 = arith.addi %mul3A_58, %add3A_97 : i32
            %dma_start3A_99 = arith.constant 0 : i32
            %dma_start3A_100 = arith.constant 0 : i32
            %dma_start3A_101 = tpu.memref_slice %arg9[%scan3A_28, %dma_start3A_99, %dma_start3A_100] : memref<2x128x128xf32, #tpu.memory_space<vmem>> -> memref<1x125x128xf32, #tpu.memory_space<vmem>>
            %dma_start3A_102 = tpu.memref_squeeze %dma_start3A_101 : memref<1x125x128xf32, #tpu.memory_space<vmem>> -> memref<125x128xf32, #tpu.memory_space<vmem>>
            %dma_start3A_103 = arith.constant 0 : i32
            %dma_start3A_104 = tpu.memref_slice %arg7[%add3A_98, %dma_start3A_103] : memref<40x125xi32, #tpu.memory_space<vmem>> -> memref<1x125xi32, #tpu.memory_space<vmem>>
            %dma_start3A_105 = tpu.memref_squeeze %dma_start3A_104 : memref<1x125xi32, #tpu.memory_space<vmem>> -> memref<125xi32, #tpu.memory_space<vmem>>
            %dma_start3A_106 = arith.constant 0 : i32
            %dma_start3A_107 = arith.constant 0 : i32
            %dma_start3A_108 = tpu.memref_slice %arg3[%dma_start3A_106, %dma_start3A_107] : memref<10240x128xf32, #tpu.memory_space<hbm>> -> memref<10240x128xf32, #tpu.memory_space<hbm>>
            tpu.enqueue_indirect_dma source(%dma_start3A_108 : memref<10240x128xf32, #tpu.memory_space<hbm>>) target(%dma_start3A_102 : memref<125x128xf32, #tpu.memory_space<vmem>>) offsets(%dma_start3A_105 : memref<125xi32, #tpu.memory_space<vmem>>) semaphore(%arg11 : memref<!tpu.dma_semaphore, #tpu.memory_space<semaphore_mem>>)
          } else {
          }
          %dma_wait3A_87 = arith.constant 0 : i32
          %dma_wait3A_88 = arith.constant 0 : i32
          %dma_wait3A_89 = tpu.memref_slice %arg9[%scan3A_29, %dma_wait3A_87, %dma_wait3A_88] : memref<2x128x128xf32, #tpu.memory_space<vmem>> -> memref<1x125x128xf32, #tpu.memory_space<vmem>>
          %dma_wait3A_90 = tpu.memref_squeeze %dma_wait3A_89 : memref<1x125x128xf32, #tpu.memory_space<vmem>> -> memref<125x128xf32, #tpu.memory_space<vmem>>
          %dma_wait3A_91 = arith.constant 0 : i32
          %dma_wait3A_92 = tpu.memref_slice %arg7[%add3A_61, %dma_wait3A_91] : memref<40x125xi32, #tpu.memory_space<vmem>> -> memref<1x125xi32, #tpu.memory_space<vmem>>
          %dma_wait3A_93 = tpu.memref_squeeze %dma_wait3A_92 : memref<1x125xi32, #tpu.memory_space<vmem>> -> memref<125xi32, #tpu.memory_space<vmem>>
          %dma_wait3A_94 = arith.constant 0 : i32
          %dma_wait3A_95 = arith.constant 0 : i32
          %dma_wait3A_96 = tpu.memref_slice %arg3[%dma_wait3A_94, %dma_wait3A_95] : memref<10240x128xf32, #tpu.memory_space<hbm>> -> memref<10240x128xf32, #tpu.memory_space<hbm>>
          tpu.wait_indirect_dma semaphore(%arg12 : memref<!tpu.dma_semaphore, #tpu.memory_space<semaphore_mem>>) src(%dma_wait3A_96 : memref<10240x128xf32, #tpu.memory_space<hbm>>) dst(%dma_wait3A_90 : memref<125x128xf32, #tpu.memory_space<vmem>>)
          "tpu.region"() ({
            %run_scoped3A_97 = tpu.sem_alloc : memref<!tpu.dma_semaphore, #tpu.memory_space<semaphore_mem>>
            %dma_start3A_98 = arith.constant 0 : i32
            %dma_start3A_99 = arith.constant 0 : i32
            %dma_start3A_100 = tpu.memref_slice %arg9[%scan3A_29, %dma_start3A_98, %dma_start3A_99] : memref<2x128x128xf32, #tpu.memory_space<vmem>> -> memref<1x125x128xf32, #tpu.memory_space<vmem>>
            %dma_start3A_101 = tpu.memref_squeeze %dma_start3A_100 : memref<1x125x128xf32, #tpu.memory_space<vmem>> -> memref<125x128xf32, #tpu.memory_space<vmem>>
            %dma_start3A_102 = arith.constant 0 : i32
            %dma_start3A_103 = tpu.memref_slice %arg8[%add3A_61, %dma_start3A_102] : memref<40x125xi32, #tpu.memory_space<vmem>> -> memref<1x125xi32, #tpu.memory_space<vmem>>
            %dma_start3A_104 = tpu.memref_squeeze %dma_start3A_103 : memref<1x125xi32, #tpu.memory_space<vmem>> -> memref<125xi32, #tpu.memory_space<vmem>>
            %dma_start3A_105 = arith.constant 0 : i32
            %dma_start3A_106 = arith.constant 0 : i32
            %dma_start3A_107 = tpu.memref_slice %arg10[%dma_start3A_105, %dma_start3A_106] : memref<10240x128xf32, #tpu.memory_space<vmem_shared>> -> memref<10240x128xf32, #tpu.memory_space<vmem_shared>>
            tpu.enqueue_indirect_dma source(%dma_start3A_101 : memref<125x128xf32, #tpu.memory_space<vmem>>) target(%dma_start3A_107 : memref<10240x128xf32, #tpu.memory_space<vmem_shared>>) offsets(%dma_start3A_104 : memref<125xi32, #tpu.memory_space<vmem>>) semaphore(%run_scoped3A_97 : memref<!tpu.dma_semaphore, #tpu.memory_space<semaphore_mem>>) {add = true}
            %dma_wait3A_108 = arith.constant 0 : i32
            %dma_wait3A_109 = arith.constant 0 : i32
            %dma_wait3A_110 = tpu.memref_slice %arg9[%scan3A_29, %dma_wait3A_108, %dma_wait3A_109] : memref<2x128x128xf32, #tpu.memory_space<vmem>> -> memref<1x125x128xf32, #tpu.memory_space<vmem>>
            %dma_wait3A_111 = tpu.memref_squeeze %dma_wait3A_110 : memref<1x125x128xf32, #tpu.memory_space<vmem>> -> memref<125x128xf32, #tpu.memory_space<vmem>>
            %dma_wait3A_112 = arith.constant 0 : i32
            %dma_wait3A_113 = tpu.memref_slice %arg8[%add3A_61, %dma_wait3A_112] : memref<40x125xi32, #tpu.memory_space<vmem>> -> memref<1x125xi32, #tpu.memory_space<vmem>>
            %dma_wait3A_114 = tpu.memref_squeeze %dma_wait3A_113 : memref<1x125xi32, #tpu.memory_space<vmem>> -> memref<125xi32, #tpu.memory_space<vmem>>
            %dma_wait3A_115 = arith.constant 0 : i32
            %dma_wait3A_116 = arith.constant 0 : i32
            %dma_wait3A_117 = tpu.memref_slice %arg10[%dma_wait3A_115, %dma_wait3A_116] : memref<10240x128xf32, #tpu.memory_space<vmem_shared>> -> memref<10240x128xf32, #tpu.memory_space<vmem_shared>>
            tpu.wait_indirect_dma semaphore(%run_scoped3A_97 : memref<!tpu.dma_semaphore, #tpu.memory_space<semaphore_mem>>) src(%dma_wait3A_111 : memref<125x128xf32, #tpu.memory_space<vmem>>) dst(%dma_wait3A_117 : memref<10240x128xf32, #tpu.memory_space<vmem_shared>>)
            tpu.yield
          }) : () -> ()
        }
        %scan3A_55 = arith.constant 20 : i32
      }
      %scan3A_34 = arith.constant 2 : i32
    } else {
    }
    %barrier3A_17 = arith.constant 0 : index
    tpu.barrier barrier_id(%barrier3A_17)
    %eq3A_18 = arith.constant 0 : i32
    %eq3A_19 = arith.cmpi eq, %arg0, %eq3A_18 : i32
    %convert_element_type3A_20 = arith.extui %eq3A_19 : i1 to i32
    %cond3A_21 = arith.constant 0 : i32
    %cond3A_22 = arith.cmpi ne, %convert_element_type3A_20, %cond3A_21 : i32
    scf.if %cond3A_22 {
      %mul3A = arith.constant 640 : i32
      %mul3A_28 = arith.muli %arg1, %mul3A : i32
      %mul3A_29 = arith.constant 640 : i32
      %mul3A_30 = arith.muli %arg1, %mul3A_29 : i32
      "tpu.region"() ({
        %run_scoped3A = tpu.sem_alloc : memref<!tpu.dma_semaphore, #tpu.memory_space<semaphore_mem>>
        %dma_start3A = arith.constant 0 : i32
        %dma_start3A_31 = tpu.memref_slice %arg5[%mul3A_30, %dma_start3A] : memref<10240x128xf32, #tpu.memory_space<hbm>> -> memref<640x128xf32, #tpu.memory_space<hbm>>
        %dma_start3A_32 = arith.constant 0 : i32
        %dma_start3A_33 = tpu.memref_slice %arg10[%mul3A_28, %dma_start3A_32] : memref<10240x128xf32, #tpu.memory_space<vmem_shared>> -> memref<640x128xf32, #tpu.memory_space<vmem_shared>>
        tpu.enqueue_dma source(%dma_start3A_33 : memref<640x128xf32, #tpu.memory_space<vmem_shared>>) target(%dma_start3A_31 : memref<640x128xf32, #tpu.memory_space<hbm>>) target_semaphore(%run_scoped3A : memref<!tpu.dma_semaphore, #tpu.memory_space<semaphore_mem>>)
        %dma_wait3A = arith.constant 0 : i32
        %dma_wait3A_34 = tpu.memref_slice %arg5[%mul3A_30, %dma_wait3A] : memref<10240x128xf32, #tpu.memory_space<hbm>> -> memref<640x128xf32, #tpu.memory_space<hbm>>
        %dma_wait3A_35 = arith.constant 0 : i32
        %dma_wait3A_36 = tpu.memref_slice %arg10[%mul3A_28, %dma_wait3A_35] : memref<10240x128xf32, #tpu.memory_space<vmem_shared>> -> memref<640x128xf32, #tpu.memory_space<vmem_shared>>
        tpu.wait_dma2 semaphore(%run_scoped3A : memref<!tpu.dma_semaphore, #tpu.memory_space<semaphore_mem>>) src(%dma_wait3A_36 : memref<640x128xf32, #tpu.memory_space<vmem_shared>>) dst(%dma_wait3A_34 : memref<640x128xf32, #tpu.memory_space<hbm>>)
        tpu.yield
      }) : () -> ()
    } else {
    }
    %eq3A_23 = arith.constant 1 : i32
    %eq3A_24 = arith.cmpi eq, %arg0, %eq3A_23 : i32
    %convert_element_type3A_25 = arith.extui %eq3A_24 : i1 to i32
    %cond3A_26 = arith.constant 0 : i32
    %cond3A_27 = arith.cmpi ne, %convert_element_type3A_25, %cond3A_26 : i32
    scf.if %cond3A_27 {
      %mul3A = arith.constant 640 : i32
      %mul3A_28 = arith.muli %arg1, %mul3A : i32
      %mul3A_29 = arith.constant 640 : i32
      %mul3A_30 = arith.muli %arg1, %mul3A_29 : i32
      "tpu.region"() ({
        %run_scoped3A = tpu.sem_alloc : memref<!tpu.dma_semaphore, #tpu.memory_space<semaphore_mem>>
        %dma_start3A = arith.constant 0 : i32
        %dma_start3A_31 = tpu.memref_slice %arg6[%mul3A_30, %dma_start3A] : memref<10240x128xf32, #tpu.memory_space<hbm>> -> memref<640x128xf32, #tpu.memory_space<hbm>>
        %dma_start3A_32 = arith.constant 0 : i32
        %dma_start3A_33 = tpu.memref_slice %arg10[%mul3A_28, %dma_start3A_32] : memref<10240x128xf32, #tpu.memory_space<vmem_shared>> -> memref<640x128xf32, #tpu.memory_space<vmem_shared>>
        tpu.enqueue_dma source(%dma_start3A_33 : memref<640x128xf32, #tpu.memory_space<vmem_shared>>) target(%dma_start3A_31 : memref<640x128xf32, #tpu.memory_space<hbm>>) target_semaphore(%run_scoped3A : memref<!tpu.dma_semaphore, #tpu.memory_space<semaphore_mem>>)
        %dma_wait3A = arith.constant 0 : i32
        %dma_wait3A_34 = tpu.memref_slice %arg6[%mul3A_30, %dma_wait3A] : memref<10240x128xf32, #tpu.memory_space<hbm>> -> memref<640x128xf32, #tpu.memory_space<hbm>>
        %dma_wait3A_35 = arith.constant 0 : i32
        %dma_wait3A_36 = tpu.memref_slice %arg10[%mul3A_28, %dma_wait3A_35] : memref<10240x128xf32, #tpu.memory_space<vmem_shared>> -> memref<640x128xf32, #tpu.memory_space<vmem_shared>>
        tpu.wait_dma2 semaphore(%run_scoped3A : memref<!tpu.dma_semaphore, #tpu.memory_space<semaphore_mem>>) src(%dma_wait3A_36 : memref<640x128xf32, #tpu.memory_space<vmem_shared>>) dst(%dma_wait3A_34 : memref<640x128xf32, #tpu.memory_space<hbm>>)
        tpu.yield
      }) : () -> ()
    } else {
    }
    return
  }
}

module attributes {stable_mosaic.version = 14 : i64} {
  func.func @_prep_body(%arg0: i32, %arg1: memref<2x10240xf32, #tpu.memory_space<vmem>>, %arg2: memref<10000x256xf32, #tpu.memory_space<vmem>>, %arg3: memref<10240x128xf32, #tpu.memory_space<vmem>>, %arg4: memref<10240x128xf32, #tpu.memory_space<vmem>>, %arg5: memref<10240x1xf32, #tpu.memory_space<vmem>>) attributes {dimension_semantics = [#tpu.dimension_semantics<arbitrary>], iteration_bounds = array<i64: 1>, scalar_prefetch = 0 : i64, scratch_operands = 0 : i64, tpu.core_type = #tpu.core_type<tc>, window_params = [{pipeline_mode = #tpu.pipeline_mode<synchronous>, transform_indices = @transform_0, window_bounds = array<i64: 2, 10240>}, {pipeline_mode = #tpu.pipeline_mode<synchronous>, transform_indices = @transform_1, window_bounds = array<i64: 10000, 256>}, {pipeline_mode = #tpu.pipeline_mode<synchronous>, transform_indices = @transform_2, window_bounds = array<i64: 10240, 128>}, {pipeline_mode = #tpu.pipeline_mode<synchronous>, transform_indices = @transform_3, window_bounds = array<i64: 10240, 128>}, {pipeline_mode = #tpu.pipeline_mode<synchronous>, transform_indices = @transform_4, window_bounds = array<i64: 10240, 1>}]} {
    %get3A = arith.constant 0 : index
    %get3A_0 = arith.constant 0 : index
    %get3A_1 = vector.load %arg1[%get3A, %get3A_0] : memref<2x10240xf32, #tpu.memory_space<vmem>>, vector<1x10240xf32>
    %get3A_2 = vector.shape_cast %get3A_1 : vector<1x10240xf32> to vector<10240xf32>
    %get3A_3 = arith.constant 1 : index
    %get3A_4 = arith.constant 0 : index
    %get3A_5 = vector.load %arg1[%get3A_3, %get3A_4] : memref<2x10240xf32, #tpu.memory_space<vmem>>, vector<1x10240xf32>
    %get3A_6 = vector.shape_cast %get3A_5 : vector<1x10240xf32> to vector<10240xf32>
    %add3A = arith.addf %get3A_2, %get3A_6 : vector<10240xf32>
    %add3A_7 = arith.constant 1.000000e+00 : f32
    %add3A_8 = vector.broadcast %add3A_7 : f32 to vector<10240xf32>
    %add3A_9 = arith.addf %add3A, %add3A_8 : vector<10240xf32>
    %rsqrt3A = math.rsqrt %add3A_9 : vector<10240xf32>
    %broadcast_in_dim3A = vector.shape_cast %rsqrt3A : vector<10240xf32> to vector<10240x1xf32>
    %swap3A = arith.constant 0 : index
    %swap3A_10 = arith.constant 0 : index
    %swap3A_11 = vector.load %arg5[%swap3A, %swap3A_10] : memref<10240x1xf32, #tpu.memory_space<vmem>>, vector<10240x1xf32>
    tpu.vector_store %arg5[%swap3A, %swap3A_10], %broadcast_in_dim3A {strides = array<i32>} : memref<10240x1xf32, #tpu.memory_space<vmem>>, vector<10240x1xf32>,
    %slice3A = vector.extract_strided_slice %rsqrt3A {offsets = [0], sizes = [10000], strides = [1]} : vector<10240xf32> to vector<10000xf32>
    %broadcast_in_dim3A_12 = vector.shape_cast %slice3A : vector<10000xf32> to vector<10000x1xf32>
    %get3A_13 = arith.constant 0 : index
    %get3A_14 = arith.constant 0 : index
    %get3A_15 = vector.load %arg2[%get3A_13, %get3A_14] : memref<10000x256xf32, #tpu.memory_space<vmem>>, vector<10000x128xf32>
    %mul3A = vector.broadcast %broadcast_in_dim3A_12 : vector<10000x1xf32> to vector<10000x128xf32>
    %mul3A_16 = arith.mulf %get3A_15, %mul3A : vector<10000x128xf32>
    %swap3A_17 = arith.constant 0 : index
    %swap3A_18 = arith.constant 0 : index
    %swap3A_19 = vector.load %arg3[%swap3A_17, %swap3A_18] : memref<10240x128xf32, #tpu.memory_space<vmem>>, vector<10000x128xf32>
    tpu.vector_store %arg3[%swap3A_17, %swap3A_18], %mul3A_16 {strides = array<i32>} : memref<10240x128xf32, #tpu.memory_space<vmem>>, vector<10000x128xf32>,
    %get3A_20 = arith.constant 0 : index
    %get3A_21 = arith.constant 128 : index
    %get3A_22 = vector.load %arg2[%get3A_20, %get3A_21] : memref<10000x256xf32, #tpu.memory_space<vmem>>, vector<10000x128xf32>
    %mul3A_23 = vector.broadcast %broadcast_in_dim3A_12 : vector<10000x1xf32> to vector<10000x128xf32>
    %mul3A_24 = arith.mulf %get3A_22, %mul3A_23 : vector<10000x128xf32>
    %swap3A_25 = arith.constant 0 : index
    %swap3A_26 = arith.constant 0 : index
    %swap3A_27 = vector.load %arg4[%swap3A_25, %swap3A_26] : memref<10240x128xf32, #tpu.memory_space<vmem>>, vector<10000x128xf32>
    tpu.vector_store %arg4[%swap3A_25, %swap3A_26], %mul3A_24 {strides = array<i32>} : memref<10240x128xf32, #tpu.memory_space<vmem>>, vector<10000x128xf32>,
    return
  }
  func.func @transform_0(%arg0: i32) -> (i32, i32) {
    %c0_i32 = arith.constant 0 : i32
    %c0_i32_0 = arith.constant 0 : i32
    %c0_i32_1 = arith.constant 0 : i32
    return %c0_i32, %c0_i32_0 : i32, i32
  }
  func.func @transform_1(%arg0: i32) -> (i32, i32) {
    %c0_i32 = arith.constant 0 : i32
    %c0_i32_0 = arith.constant 0 : i32
    %c0_i32_1 = arith.constant 0 : i32
    return %c0_i32, %c0_i32_0 : i32, i32
  }
  func.func @transform_2(%arg0: i32) -> (i32, i32) {
    %c0_i32 = arith.constant 0 : i32
    %c0_i32_0 = arith.constant 0 : i32
    %c0_i32_1 = arith.constant 0 : i32
    return %c0_i32, %c0_i32_0 : i32, i32
  }
  func.func @transform_3(%arg0: i32) -> (i32, i32) {
    %c0_i32 = arith.constant 0 : i32
    %c0_i32_0 = arith.constant 0 : i32
    %c0_i32_1 = arith.constant 0 : i32
    return %c0_i32, %c0_i32_0 : i32, i32
  }
  func.func @transform_4(%arg0: i32) -> (i32, i32) {
    %c0_i32 = arith.constant 0 : i32
    %c0_i32_0 = arith.constant 0 : i32
    %c0_i32_1 = arith.constant 0 : i32
    return %c0_i32, %c0_i32_0 : i32, i32
  }
}

module attributes {stable_mosaic.version = 14 : i64} {
  func.func @_final_body(%arg0: i32, %arg1: memref<5000x1xf32, #tpu.memory_space<vmem>>, %arg2: memref<5000x128xf32, #tpu.memory_space<vmem>>, %arg3: memref<5000x128xf32, #tpu.memory_space<vmem>>, %arg4: memref<5000x1xf32, #tpu.memory_space<vmem>>, %arg5: memref<256x256xf32, #tpu.memory_space<vmem>>, %arg6: memref<1x256xf32, #tpu.memory_space<vmem>>, %arg7: memref<128x64xf32, #tpu.memory_space<vmem>>, %arg8: memref<1x64xf32, #tpu.memory_space<vmem>>, %arg9: memref<64x2xf32, #tpu.memory_space<vmem>>, %arg10: memref<1x2xf32, #tpu.memory_space<vmem>>, %arg11: memref<5000x2xf32, #tpu.memory_space<vmem>>) attributes {dimension_semantics = [#tpu.dimension_semantics<arbitrary>], iteration_bounds = array<i64: 2>, scalar_prefetch = 0 : i64, scratch_operands = 0 : i64, tpu.core_type = #tpu.core_type<tc>, window_params = [{transform_indices = @transform_0, window_bounds = array<i64: 5000, 1>}, {transform_indices = @transform_1, window_bounds = array<i64: 5000, 128>}, {transform_indices = @transform_2, window_bounds = array<i64: 5000, 128>}, {transform_indices = @transform_3, window_bounds = array<i64: 5000, 1>}, {pipeline_mode = #tpu.pipeline_mode<synchronous>, transform_indices = @transform_4, window_bounds = array<i64: 256, 256>}, {pipeline_mode = #tpu.pipeline_mode<synchronous>, transform_indices = @transform_5, window_bounds = array<i64: 1, 256>}, {pipeline_mode = #tpu.pipeline_mode<synchronous>, transform_indices = @transform_6, window_bounds = array<i64: 128, 64>}, {pipeline_mode = #tpu.pipeline_mode<synchronous>, transform_indices = @transform_7, window_bounds = array<i64: 1, 64>}, {pipeline_mode = #tpu.pipeline_mode<synchronous>, transform_indices = @transform_8, window_bounds = array<i64: 64, 2>}, {pipeline_mode = #tpu.pipeline_mode<synchronous>, transform_indices = @transform_9, window_bounds = array<i64: 1, 2>}, {transform_indices = @transform_10, window_bounds = array<i64: 5000, 2>}]} {
    %get3A = arith.constant 0 : index
    %get3A_0 = arith.constant 0 : index
    %get3A_1 = vector.load %arg1[%get3A, %get3A_0] : memref<5000x1xf32, #tpu.memory_space<vmem>>, vector<5000x1xf32>
    %get3A_2 = arith.constant 0 : index
    %get3A_3 = arith.constant 0 : index
    %get3A_4 = vector.load %arg2[%get3A_2, %get3A_3] : memref<5000x128xf32, #tpu.memory_space<vmem>>, vector<5000x128xf32>
    %mul3A = vector.broadcast %get3A_1 : vector<5000x1xf32> to vector<5000x128xf32>
    %mul3A_5 = arith.mulf %get3A_4, %mul3A : vector<5000x128xf32>
    %get3A_6 = arith.constant 0 : index
    %get3A_7 = arith.constant 0 : index
    %get3A_8 = vector.load %arg3[%get3A_6, %get3A_7] : memref<5000x128xf32, #tpu.memory_space<vmem>>, vector<5000x128xf32>
    %mul3A_9 = vector.broadcast %get3A_1 : vector<5000x1xf32> to vector<5000x128xf32>
    %mul3A_10 = arith.mulf %get3A_8, %mul3A_9 : vector<5000x128xf32>
    %concatenate3A = tpu.concatenate %mul3A_5, %mul3A_10 in 1 : vector<5000x128xf32>, vector<5000x128xf32> -> vector<5000x256xf32>
    %get3A_11 = arith.constant 0 : index
    %get3A_12 = arith.constant 0 : index
    %get3A_13 = vector.load %arg5[%get3A_11, %get3A_12] : memref<256x256xf32, #tpu.memory_space<vmem>>, vector<256x256xf32>
    %dot_general3A = arith.constant dense<0.000000e+00> : vector<5000x256xf32>
    %dot_general3A_14 = tpu.matmul %concatenate3A, %get3A_13, %dot_general3A {dimension_numbers = #tpu.dot_dimension_numbers<[1], [0], [0], [1], [0, 0, 1, 1], [], []>, transpose_lhs_hint = false} : vector<5000x256xf32>, vector<256x256xf32>, vector<5000x256xf32> -> vector<5000x256xf32>
    %get3A_15 = arith.constant 0 : index
    %get3A_16 = arith.constant 0 : index
    %get3A_17 = vector.load %arg6[%get3A_15, %get3A_16] : memref<1x256xf32, #tpu.memory_space<vmem>>, vector<1x256xf32>
    %add3A = vector.broadcast %get3A_17 : vector<1x256xf32> to vector<5000x256xf32>
    %add3A_18 = arith.addf %dot_general3A_14, %add3A : vector<5000x256xf32>
    %max3A = arith.constant 0.000000e+00 : f32
    %max3A_19 = vector.broadcast %max3A : f32 to vector<5000x256xf32>
    %max3A_20 = arith.maximumf %add3A_18, %max3A_19 : vector<5000x256xf32>
    %get3A_21 = arith.constant 0 : index
    %get3A_22 = arith.constant 0 : index
    %get3A_23 = vector.load %arg4[%get3A_21, %get3A_22] : memref<5000x1xf32, #tpu.memory_space<vmem>>, vector<5000x1xf32>
    %sub3A = arith.constant 1.000000e+00 : f32
    %sub3A_24 = vector.broadcast %sub3A : f32 to vector<5000x1xf32>
    %sub3A_25 = arith.subf %sub3A_24, %get3A_23 : vector<5000x1xf32>
    %slice3A = vector.extract_strided_slice %max3A_20 {offsets = [0, 0], sizes = [5000, 128], strides = [1, 1]} : vector<5000x256xf32> to vector<5000x128xf32>
    %mul3A_26 = vector.broadcast %sub3A_25 : vector<5000x1xf32> to vector<5000x128xf32>
    %mul3A_27 = arith.mulf %mul3A_26, %slice3A : vector<5000x128xf32>
    %sub3A_28 = arith.constant 1.000000e+00 : f32
    %sub3A_29 = vector.broadcast %sub3A_28 : f32 to vector<5000x1xf32>
    %sub3A_30 = arith.subf %sub3A_29, %sub3A_25 : vector<5000x1xf32>
    %slice3A_31 = vector.extract_strided_slice %max3A_20 {offsets = [0, 128], sizes = [5000, 128], strides = [1, 1]} : vector<5000x256xf32> to vector<5000x128xf32>
    %mul3A_32 = vector.broadcast %sub3A_30 : vector<5000x1xf32> to vector<5000x128xf32>
    %mul3A_33 = arith.mulf %mul3A_32, %slice3A_31 : vector<5000x128xf32>
    %add3A_34 = arith.addf %mul3A_27, %mul3A_33 : vector<5000x128xf32>
    %get3A_35 = arith.constant 0 : index
    %get3A_36 = arith.constant 0 : index
    %get3A_37 = vector.load %arg7[%get3A_35, %get3A_36] : memref<128x64xf32, #tpu.memory_space<vmem>>, vector<128x64xf32>
    %dot_general3A_38 = arith.constant dense<0.000000e+00> : vector<5000x64xf32>
    %dot_general3A_39 = tpu.matmul %add3A_34, %get3A_37, %dot_general3A_38 {dimension_numbers = #tpu.dot_dimension_numbers<[1], [0], [0], [1], [0, 0, 1, 1], [], []>, transpose_lhs_hint = false} : vector<5000x128xf32>, vector<128x64xf32>, vector<5000x64xf32> -> vector<5000x64xf32>
    %get3A_40 = arith.constant 0 : index
    %get3A_41 = arith.constant 0 : index
    %get3A_42 = vector.load %arg8[%get3A_40, %get3A_41] : memref<1x64xf32, #tpu.memory_space<vmem>>, vector<1x64xf32>
    %add3A_43 = vector.broadcast %get3A_42 : vector<1x64xf32> to vector<5000x64xf32>
    %add3A_44 = arith.addf %dot_general3A_39, %add3A_43 : vector<5000x64xf32>
    %max3A_45 = arith.constant 0.000000e+00 : f32
    %max3A_46 = vector.broadcast %max3A_45 : f32 to vector<5000x64xf32>
    %max3A_47 = arith.maximumf %add3A_44, %max3A_46 : vector<5000x64xf32>
    %get3A_48 = arith.constant 0 : index
    %get3A_49 = arith.constant 0 : index
    %get3A_50 = vector.load %arg9[%get3A_48, %get3A_49] : memref<64x2xf32, #tpu.memory_space<vmem>>, vector<64x2xf32>
    %dot_general3A_51 = arith.constant dense<0.000000e+00> : vector<5000x2xf32>
    %dot_general3A_52 = tpu.matmul %max3A_47, %get3A_50, %dot_general3A_51 {dimension_numbers = #tpu.dot_dimension_numbers<[1], [0], [0], [1], [0, 0, 1, 1], [], []>, transpose_lhs_hint = false} : vector<5000x64xf32>, vector<64x2xf32>, vector<5000x2xf32> -> vector<5000x2xf32>
    %get3A_53 = arith.constant 0 : index
    %get3A_54 = arith.constant 0 : index
    %get3A_55 = vector.load %arg10[%get3A_53, %get3A_54] : memref<1x2xf32, #tpu.memory_space<vmem>>, vector<1x2xf32>
    %add3A_56 = vector.broadcast %get3A_55 : vector<1x2xf32> to vector<5000x2xf32>
    %add3A_57 = arith.addf %dot_general3A_52, %add3A_56 : vector<5000x2xf32>
    %swap3A = arith.constant 0 : index
    %swap3A_58 = arith.constant 0 : index
    %swap3A_59 = vector.load %arg11[%swap3A, %swap3A_58] : memref<5000x2xf32, #tpu.memory_space<vmem>>, vector<5000x2xf32>
    tpu.vector_store %arg11[%swap3A, %swap3A_58], %add3A_57 {strides = array<i32>} : memref<5000x2xf32, #tpu.memory_space<vmem>>, vector<5000x2xf32>,
    return
  }
  func.func @transform_0(%arg0: i32) -> (i32, i32) {
    %c0_i32 = arith.constant 0 : i32
    %c0_i32_0 = arith.constant 0 : i32
    return %arg0, %c0_i32 : i32, i32
  }
  func.func @transform_1(%arg0: i32) -> (i32, i32) {
    %c0_i32 = arith.constant 0 : i32
    %c0_i32_0 = arith.constant 0 : i32
    return %arg0, %c0_i32 : i32, i32
  }
  func.func @transform_2(%arg0: i32) -> (i32, i32) {
    %c0_i32 = arith.constant 0 : i32
    %c0_i32_0 = arith.constant 0 : i32
    return %arg0, %c0_i32 : i32, i32
  }
  func.func @transform_3(%arg0: i32) -> (i32, i32) {
    %c0_i32 = arith.constant 0 : i32
    %c0_i32_0 = arith.constant 0 : i32
    return %arg0, %c0_i32 : i32, i32
  }
  func.func @transform_4(%arg0: i32) -> (i32, i32) {
    %c0_i32 = arith.constant 0 : i32
    %c0_i32_0 = arith.constant 0 : i32
    %c0_i32_1 = arith.constant 0 : i32
    return %c0_i32, %c0_i32_0 : i32, i32
  }
  func.func @transform_5(%arg0: i32) -> (i32, i32) {
    %c0_i32 = arith.constant 0 : i32
    %c0_i32_0 = arith.constant 0 : i32
    %c0_i32_1 = arith.constant 0 : i32
    return %c0_i32, %c0_i32_0 : i32, i32
  }
  func.func @transform_6(%arg0: i32) -> (i32, i32) {
    %c0_i32 = arith.constant 0 : i32
    %c0_i32_0 = arith.constant 0 : i32
    %c0_i32_1 = arith.constant 0 : i32
    return %c0_i32, %c0_i32_0 : i32, i32
  }
  func.func @transform_7(%arg0: i32) -> (i32, i32) {
    %c0_i32 = arith.constant 0 : i32
    %c0_i32_0 = arith.constant 0 : i32
    %c0_i32_1 = arith.constant 0 : i32
    return %c0_i32, %c0_i32_0 : i32, i32
  }
  func.func @transform_8(%arg0: i32) -> (i32, i32) {
    %c0_i32 = arith.constant 0 : i32
    %c0_i32_0 = arith.constant 0 : i32
    %c0_i32_1 = arith.constant 0 : i32
    return %c0_i32, %c0_i32_0 : i32, i32
  }
  func.func @transform_9(%arg0: i32) -> (i32, i32) {
    %c0_i32 = arith.constant 0 : i32
    %c0_i32_0 = arith.constant 0 : i32
    %c0_i32_1 = arith.constant 0 : i32
    return %c0_i32, %c0_i32_0 : i32, i32
  }
  func.func @transform_10(%arg0: i32) -> (i32, i32) {
    %c0_i32 = arith.constant 0 : i32
    %c0_i32_0 = arith.constant 0 : i32
    return %arg0, %c0_i32 : i32, i32
  }
}

</mosaic_0001>

<sc_bundles>
// kernel: kernel.6.cloned.1.call-start
scs
__scs_entry_jumppad:
0x0: {  	(pc) =	sbr.rel $0x88, $3  }
0x1: {  	(tag) =	ssettag $0x0;
	lr =	simm.s32 $0x1  }
0x2: {  	[smem:$0x3F96] =	sst lr;
	_ =	strace $0xD0000000  }
0x3: {  	_ = 	snop  }
0x4: {  	_ = 	snop  }
0x5: {  	_ = 	snop  }
0x6: {  	_ = 	snop  }
0x7: {  	_ = 	snop  }
__scs_overlays_trampoline_lowered:
0x8: {  	[smem:$0x3FA5] =	sst s0  }
0x9: {  	[smem:$0x3FA6] =	sst s1  }
0xa: {  	[smem:$0x3FA7] =	sst s2  }
0xb: {  	[smem:$0x3FA8] =	sst s3  }
0xc: {  	[smem:$0x3FA9] =	sst s4  }
0xd: {  	[smem:$0x3FAA] =	sst s5  }
0xe: {  	[smem:$0x3FAB] =	sst s6  }
0xf: {  	[smem:$0x3FAC] =	sst s7  }
0x10: {  	[smem:$0x3FAD] =	sst s8  }
0x11: {  	[smem:$0x3FAE] =	sst s9;
	s0 =	simm.s32 @!p0 $0x0  }
0x12: {  	s1 =	sld [smem:$0x3F94];
	s0 =	simm.s32 @p0 $0x1  }
0x13: {  	[smem:$0x3FAF] =	sst s0;
	s0 =	simm.s32 @!p1 $0x0  }
0x14: {  	s2 =	sld [smem:$0x3F93];
	s0 =	simm.s32 @p1 $0x1  }
0x15: {  	[smem:$0x3FB0] =	sst s0;
	s0 =	simm.s32 @!p2 $0x0  }
0x16: {  	s3 =	sld [smem:$0x3FDB];
	s0 =	simm.s32 @p2 $0x1  }
0x17: {  	s4 =	simm.s32 $0x1BF5;
	[smem:$0x3FB2] =	sst s0  }
0x18: {  	s0 =	sld [smem:$0x3F95];
	_ =	swait.ge [sflag:s4], $0x0  }
0x19: {  	s7 =	sld [smem:$0x3F96]  }
0x1a: {  	s8 =	sadd.s32 $0xFFFFE003, lr  }
0x1b: {  	s9 =	sadd.s32 $0xFFFFFEF7, lr;
	s5 =	simm.s32 $0xFFFFFFFF;
	p2 =	slt.u32 s8, $0xFFFFF086  }
0x1c: {  	p1 =	slt.u32 s9, $0xF7A;
	s5 =	simm.s32 @!p2 $0x0  }
0x1d: {  	s5 =	simm.s32 @p1 $0x1;
	p0 =	seq.s32 s7, s2  }
0x1e: {  	s7 =	smul.u32 @!p0 $0xF7A, s2;
	p2 =	seq.s32 @!p0 s5, $0x0  }
0x1f: {  	s9 =	smul.u32 $0xF7A, s1;
	s8 =	simm.s32 @!p0 $0x1BF5;
	p2 =	por !p2, p0  }
0x20: {  	[sflag:s8] =	ssyncset.s32 @!p0 $0xFFFFF086;
	s6 =	sadd.s32 @!p0 s3, s7;
	s7 =	simm.s32 @!p0 $0x108  }
0x21: {  	s3 =	sadd.s32 s3, s9;
	s6 =	sadd.s32 @!p0 $0x88, s6;
	s7 =	simm.s32 @p2 $0x1082  }
0x22: {  	[simem:s7], [sflag:s8] =	dma.local @!p0 [hbm:s6], $0xF7A  }
0x23: {  	s9 =	sor.u32 $0xD0000000, s2;
	s6 =	simm.s32 $0x108;
	_ =	swait.ge @!p0 [sflag:s8], $0x0  }
0x24: {  	s3 =	sadd.s32 $0x88, s3;
	s6 =	simm.s32 @!p1 $0x1082;
	[sflag:s4] =	ssyncset.s32 $0xFFFFF086  }
0x25: {  	[simem:s6], [sflag:s4] =	dma.local [hbm:s3], $0xF7A  }
0x26: {  	[smem:$0x3F96] =	sst s1;
	(tag) =	ssettag s2;
	_ =	strace s9  }
0x27: {  	s1 =	sld [smem:$0x3FA6]  }
0x28: {  	s2 =	sld [smem:$0x3FA7]  }
0x29: {  	s4 =	sld [smem:$0x3FA9]  }
0x2a: {  	p0 =	seq.s32 s5, $0x0;
	s5 =	sld [smem:$0x3FAA]  }
0x2b: {  	s6 =	sld [smem:$0x3FAB]  }
0x2c: {  	s7 =	sld [smem:$0x3FAC]  }
0x2d: {  	s3 =	simm.s32 $0x108;
	s8 =	sld [smem:$0x3FAD]  }
0x2e: {  	s3 =	simm.s32 @!p0 $0x1082;
	s9 =	sld [smem:$0x3FAE]  }
0x2f: {  	lr =	sadd.s32 s0, s3;
	s0 =	sld [smem:$0x3FA5]  }
0x30: {  	s3 =	sld [smem:$0x3FA8]  }
0x31: {  	[smem:$0x3FB1] =	sst s10  }
0x32: {  	s10 =	sld [smem:$0x3FAF];
	_ =	sdelay $0x3  }
0x33: {  	p0 =	seq.s32 s10, $0x1;
	s10 =	sld [smem:$0x3FB1];
	_ =	sdelay $0x3  }
0x34: {  	[smem:$0x3FB1] =	sst s10  }
0x35: {  	s10 =	sld [smem:$0x3FB0];
	_ =	sdelay $0x3  }
0x36: {  	p1 =	seq.s32 s10, $0x1;
	s10 =	sld [smem:$0x3FB1];
	_ =	sdelay $0x3  }
0x37: {  	[smem:$0x3FB1] =	sst s10  }
0x38: {  	s10 =	sld [smem:$0x3FB2]  }
0x39: {  	_ = 	snop;
	(pc) =	sbr.ind lr, $3  }
0x3a: {  	_ = 	snop  }
0x3b: {  	_ = 	snop  }
0x3c: {  	p2 =	seq.s32 s10, $0x1;
	s10 =	sld [smem:$0x3FB1]  }
0x3d: {  	_ =	shalt  }
0x3e: {  	_ =	shalt  }
0x3f: {  	_ =	shalt  }
0x40: {  	_ =	shalt  }
0x41: {  	_ =	shalt  }
0x42: {  	_ =	shalt  }
0x43: {  	_ =	shalt  }
0x44: {  	_ =	shalt  }
0x45: {  	_ =	shalt  }
0x46: {  	_ =	shalt  }
0x47: {  	_ =	shalt  }
0x48: {  	_ =	shalt  }
0x49: {  	_ =	shalt  }
0x4a: {  	_ =	shalt  }
0x4b: {  	_ =	shalt  }
0x4c: {  	_ =	shalt  }
0x4d: {  	_ =	shalt  }
0x4e: {  	_ =	shalt  }
0x4f: {  	_ =	shalt  }
0x50: {  	_ =	shalt  }
0x51: {  	_ =	shalt  }
0x52: {  	_ =	shalt  }
0x53: {  	_ =	shalt  }
0x54: {  	_ =	shalt  }
0x55: {  	_ =	shalt  }
0x56: {  	_ =	shalt  }
0x57: {  	_ =	shalt  }
0x58: {  	_ =	shalt  }
0x59: {  	_ =	shalt  }
0x5a: {  	_ =	shalt  }
0x5b: {  	_ =	shalt  }
0x5c: {  	_ =	shalt  }
0x5d: {  	_ =	shalt  }
0x5e: {  	_ =	shalt  }
0x5f: {  	_ =	shalt  }
0x60: {  	_ =	shalt  }
0x61: {  	_ =	shalt  }
0x62: {  	_ =	shalt  }
0x63: {  	_ =	shalt  }
0x64: {  	_ =	shalt  }
0x65: {  	_ =	shalt  }
0x66: {  	_ =	shalt  }
0x67: {  	_ =	shalt  }
0x68: {  	_ =	shalt  }
0x69: {  	_ =	shalt  }
0x6a: {  	_ =	shalt  }
0x6b: {  	_ =	shalt  }
0x6c: {  	_ =	shalt  }
0x6d: {  	_ =	shalt  }
0x6e: {  	_ =	shalt  }
0x6f: {  	_ =	shalt  }
0x70: {  	_ =	shalt  }
0x71: {  	_ =	shalt  }
0x72: {  	_ =	shalt  }
0x73: {  	_ =	shalt  }
0x74: {  	_ =	shalt  }
0x75: {  	_ =	shalt  }
0x76: {  	_ =	shalt  }
0x77: {  	_ =	shalt  }
0x78: {  	_ =	shalt  }
0x79: {  	_ =	shalt  }
0x7a: {  	_ =	shalt  }
0x7b: {  	_ =	shalt  }
0x7c: {  	_ =	shalt  }
0x7d: {  	_ =	shalt  }
0x7e: {  	_ =	shalt  }
0x7f: {  	_ =	shalt  }
0x80: {  	_ =	shalt  }
0x81: {  	_ =	shalt  }
0x82: {  	_ =	shalt  }
0x83: {  	_ =	shalt  }
0x84: {  	_ =	shalt  }
0x85: {  	_ =	shalt  }
0x86: {  	_ =	shalt  }
0x87: {  	_ =	shalt  }
.Lfunc_end0:
.L_simem_size_0:
called_computation_lowered:
.L_overlay_start_0:
0x88: {  	s2 =	sld [smem:$0x3FD9]  }
0x89: {  	s3 =	sld [smem:$0x3FFE];
	_ =	sdelay $0x1  }
0x8a: {  	s1 =	srdreg.scid  }
0x8b: {  	s0 =	sand.u32 $0x1, s1  }
0x8c: {  	s16 =	sshll.u32 s0, $0xA;
	s2 =	sadd.s32 s3, s2  }
0x8d: {  	s2 =	sadd.s32 s2, s16  }
0x8e: {  	[smem:$0x3FBD] =	sst s2  }
0x8f: {  	_ = 	snop  }
0x90: {  	(tm) =	ssettm $0x1  }
0x91: {  	s17 =	sld [smem:$0x3FFB];
	_ =	sdelay $0x3  }
0x92: {  	_ =	strace s17  }
0x93: {  	s2 =	sld [smem:$0x3FFC];
	_ =	sdelay $0x3  }
0x94: {  	_ =	strace s2  }
0x95: {  	s2 =	sld [smem:$0x3FFD];
	_ =	sdelay $0x3  }
0x96: {  	_ =	strace s2  }
0x97: {  	_ =	strace $0x8FFFFFFF  }
0x98: {  	s18 =	sld [smem:$0x3FDB];
	_ =	sdelay $0x1  }
0x99: {  	s19 =	simm.s32 $_scs_section_size  }
0x9a: {  	s4 =	simm.s32 $_size__tile_overlayer_lowered;
	s5 =	simm.s32 $_tile_overlayer_lowered  }
0x9b: {  	s22 =	simm.s32 $0x1BFF;
	s21 =	sshll.u32 s5, $0x1;
	s2 =	sadd.s32 s19, s18  }
0x9c: {  	s6 =	simm.s32 $0x0;
	s20 =	sshll.u32 s4, $0x1;
	s4 =	sadd.s32 s21, s2  }
0x9d: {  	[timem:s6], [sflag:s22] =	dma.local [hbm:s4], s20  }
0x9e: {  	_ =	swait.ge [sflag:s22], s20  }
0x9f: {  	s3 =	ssub.s32 $0x0, s20;
	[sflag:s22] =	ssyncset.done $0x0  }
0xa0: {  	[sflag:s22] =	ssyncadd.s32 s3;
	_ =	sdelay $0x1  }
0xa1: {  	s23 =	simm.s32 $0x1B8B  }
0xa2: {  	_ =	swait.ge [sflag:s23], $0x1  }
0xa3: {  	[sflag:s23] =	ssyncset.done $0x0  }
0xa4: {  	s25 =	simm.s32 $0x1B8E;
	s24 =	sld [smem:$0x3FFE];
	[sflag:s23] =	ssyncadd.s32 $0xFFFFFFFF  }
0xa5: {  	s26 =	simm.s32 $execute0_lowered;
	[smem:$0x3FD2] =	sst s25  }
0xa6: {  	s4 =	sshll.u32 s26, $0x1;
	_ =	strace $0x80000046;
	[dreg:$0x1] =	wrdreg $0xFFFFFFFF  }
0xa7: {  	s28 =	simm.s32 $_size_execute0_lowered;
	s2 =	sadd.s32 s2, s4;
	[dreg:$0x0] =	wrdreg $0x0  }
0xa8: {  	s4 =	sshll.u32 s28, $0x1;
	[dreg:$0x2] =	wrdreg s2  }
0xa9: {  	[dreg:$0x3] =	wrdreg s4  }
0xaa: {  	[dreg:$0x4] =	wrdreg $0xC0  }
0xab: {  	_ =	task [dreg:s6], $0x5FFFF  }
0xac: {  	[dreg:$0x1] =	wrdreg $0xFFFFFFFF  }
0xad: {  	[dreg:$0x0] =	wrdreg $0x60  }
0xae: {  	[dreg:$0x2] =	wrdreg s24  }
0xaf: {  	[dreg:$0x3] =	wrdreg $0x17000  }
0xb0: {  	[dreg:$0x4] =	wrdreg $0x9  }
0xb1: {  	_ =	task.clear_ibuf [dreg:s6], $0x5FFFF;
	_ =	strace $0x90000046  }
0xb2: {  	s29 =	simm.s32 $0x9;
	_ =	strace $0x80000048  }
0xb3: {  	_ =	swait.ge [sflag:s29], $0x1  }
0xb4: {  	[sflag:s29] =	ssyncadd.s32 $0xFFFFFFFF  }
0xb5: {  	_ =	strace $0x90000048  }
0xb6: {  	_ =	sfence  }
0xb7: {  	s30 =	sld [smem:$0x0];
	_ =	sdelay $0x2  }
0xb8: {  	s31 =	sshll.u32 s1, $0xD;
	s1 =	sshrl.u32 s1, $0x2  }
0xb9: {  	s3 =	sand.u32 $0x4000, s31;
	s1 =	sadd.s32 s1, s30  }
0xba: {  	s0 =	sor.u32 s3, s0;
	s1 =	sshll.u32 s1, $0x11  }
0xbb: {  	s0 =	sor.u32 s1, s0  }
0xbc: {  	s0 =	sadd.s32 $0x8F2B, s0  }
0xbd: {  	[sflag:s0] =	ssyncadd.remote.s32 $0x1  }
0xbe: {  	_ =	sfence.sel $0xFFFF  }
0xbf: {  	[dreg:$0x0] =	wrdreg $0xFFFFFFFF;
	(pc) =	sbr.abs _section_cstart, $3  }
0xc0: {  	[dreg:$0x1] =	wrdreg $0xFFFFFFFF  }
0xc1: {  	_ =	task.clear_ibuf [dreg:s6], $0x2FFFF;
	_ =	strace $0x9FFFFFFF  }
0xc2: {  	(tm) =	ssettm $0x7FFFFFFF  }
0xc3: {  	_ =	shalt  }
tec
execute0_lowered:
.L_overlay_start_1:
0x0: {  	(tag) =	ssettag $0x1  }
0x1: {  	s0 =	srdreg.scid;
	s6 =	rddreg [dreg:$0x0]  }
0x2: {  	s4 =	simm.s32 $0x1;
	s3 =	simm.s32 $0x0;
	s8 =	simm.s32 $0x29400  }
0x3: {  	s11 =	simm.s32 $0x1400;
	s14 =	simm.s32 $0x20;
	s5 =	sand.u32 $0x1, s0  }
0x4: {  	s15 =	simm.s32 $0x10;
	s0 =	stileid.u32;
	s1 =	sshll.u32 s5, $0x4  }
0x5: {  	s16 =	simm.s32 $0x0;
	s2 =	sand.u32 $0x1, s0;
	s1 =	sor.u32 s0, s1  }
0x6: {  	[smem:$0x7FF] =	sst s3;
	p0 =	seq.s32 s2, $0x1;
	p1 =	seq.s32 s1, $0x0  }
0x7: {  	s30 =	smul.u32 $0x500, s0;
	s9 =	sshll.u32 s5, $0x7;
	p1 =	por !p1, !p0  }
0x8: {  	s10 =	smul.u32 $0xA00, s0;
	s5 =	ssub.s32 $0x2, s5;
	p1 =	por !p1, !p1  }
0x9: {  	s12 =	sshll.u32 s0, $0x6;
	s7 =	sshrl.u32 s1, $0x1;
	s4 =	simm.s32 @!p1 $0x0  }
0xa: {  	s2 =	rddreg [dreg:$0x1];
	s31 =	sshrl.u32 s5, $0x1;
	s4 =	ssub.s32 s7, s4  }
0xb: {  	s12 =	sor.u32 $0x1C01, s12;
	s1 =	rddreg [dreg:$0x2];
	s7 =	smul.u32 $0x2800, s4  }
0xc: {  	_ =	strace $0x80000047;
	s8 =	simm.s32 @!p0 $0x28000;
	s10 =	sshrl.u32 s10, $0x2  }
0xd: {  	s4 =	simm.s32 $0x1;
	s7 =	sadd.s32 s7, s8;
	s8 =	sor.u32 s9, s30  }
0xe: {  	s9 =	ssub.s32 s5, s31;
	s5 =	sadd.s32 s10, s2;
	s7 =	sshrl.u32 s7, $0x3  }
0xf: {  	s10 =	simm.s32 $0x7D;
	s8 =	sshrl.u32 s8, $0x3;
	s7 =	sadd.s32 s7, s6  }
0x10: {  	s13 =	sshrl.u32 s5, $0x3;
	s8 =	sadd.s32 s8, s6;
	s6 =	sadd.s32 $0x2800, s7  }
0x11: {  	v0 =	vimm.f32 $1.000000000e+00;
	v1 =	vimm.f32 $0.0e+00;
	s7 =	sadd.s32 $0xC800, s8;
	s8 =	smax.u32 s9, $0x1;
	s9 =	simm.s32 $0x1480  }
.LBB2_1:
0x12: {  	[tilespmem:$0x1400] =	vst v0  }
0x13: {  	[tilespmem:$0x1410] =	vst v0  }
0x14: {  	[tilespmem:$0x1420] =	vst v0  }
0x15: {  	[tilespmem:$0x1430] =	vst v0  }
0x16: {  	[tilespmem:$0x1440] =	vst v0  }
0x17: {  	[tilespmem:$0x1450] =	vst v0  }
0x18: {  	[tilespmem:$0x1460] =	vst v0  }
0x19: {  	[tilespmem:$0x1470] =	vst v0  }
0x1a: {  	[tilespmem:$0x1480] =	vst v1  }
0x1b: {  	[tilespmem:$0x1490] =	vst v1  }
0x1c: {  	[tilespmem:$0x14A0] =	vst v1  }
0x1d: {  	[tilespmem:$0x14B0] =	vst v1  }
0x1e: {  	[tilespmem:$0x14C0] =	vst v1  }
0x1f: {  	[tilespmem:$0x14D0] =	vst v1  }
0x20: {  	[tilespmem:$0x14E0] =	vst v1  }
0x21: {  	[tilespmem:$0x14F0] =	vst v1  }
0x22: {  	[tilespmem:$0x1500] =	vst v1  }
0x23: {  	[tilespmem:$0x1510] =	vst v1  }
0x24: {  	[tilespmem:$0x1520] =	vst v1  }
0x25: {  	[tilespmem:$0x1530] =	vst v1  }
0x26: {  	[tilespmem:$0x1540] =	vst v1  }
0x27: {  	[tilespmem:$0x1550] =	vst v1  }
0x28: {  	[tilespmem:$0x1560] =	vst v1  }
0x29: {  	[tilespmem:$0x1570] =	vst v1  }
0x2a: {  	[tilespmem:$0x1580] =	vst v1  }
0x2b: {  	[tilespmem:$0x1590] =	vst v1  }
0x2c: {  	[tilespmem:$0x15A0] =	vst v1  }
0x2d: {  	[tilespmem:$0x15B0] =	vst v1  }
0x2e: {  	[tilespmem:$0x15C0] =	vst v1  }
0x2f: {  	[tilespmem:$0x15D0] =	vst v1  }
0x30: {  	[tilespmem:$0x15E0] =	vst v1  }
0x31: {  	[tilespmem:$0x15F0] =	vst v1  }
0x32: {  	[tilespmem:$0x1600] =	vst v1  }
0x33: {  	[tilespmem:$0x1610] =	vst v1  }
0x34: {  	[tilespmem:$0x1620] =	vst v1  }
0x35: {  	[tilespmem:$0x1630] =	vst v1  }
0x36: {  	[tilespmem:$0x1640] =	vst v1  }
0x37: {  	[tilespmem:$0x1650] =	vst v1  }
0x38: {  	[tilespmem:$0x1660] =	vst v1  }
0x39: {  	[tilespmem:$0x1670] =	vst v1  }
0x3a: {  	[tilespmem:$0x1680] =	vst v1  }
0x3b: {  	[tilespmem:$0x1690] =	vst v1  }
0x3c: {  	[tilespmem:$0x16A0] =	vst v1  }
0x3d: {  	[tilespmem:$0x16B0] =	vst v1  }
0x3e: {  	[tilespmem:$0x16C0] =	vst v1  }
0x3f: {  	[tilespmem:$0x16D0] =	vst v1  }
0x40: {  	[tilespmem:$0x16E0] =	vst v1  }
0x41: {  	[tilespmem:$0x16F0] =	vst v1  }
0x42: {  	[spmem:s5] =	stream.linear.scatter [tilespmem:s9], [sflag:$0x1], $0x280, $0x38;
	[tilespmem:$0x1980] =	vst v63  }
0x43: {  	_ =	swait.ge [sflag:s4], $0x280  }
0x44: {  	[sflag:s4] =	ssyncset.done $0x0  }
0x45: {  	[sflag:s4] =	ssyncadd.s32 $0xFFFFFD80  }
0x46: {  	[tilespmem:s3], [sflag:$0x1] =	stream.linear.gather [hbm4b:s6+s3], $0x1400, $0x38;
	[tilespmem:$0x1980] =	vst v63  }
0x47: {  	_ =	swait.ge [sflag:s4], $0x1400  }
0x48: {  	[sflag:s4] =	ssyncset.done $0x0  }
0x49: {  	[sflag:s4] =	ssyncadd.s32 $0xFFFFEC00  }
0x4a: {  	s17 =	simm.s32 $0x0;
	[bflag:$0x0] =	sbarrier.arrive $0xFFFF  }
0x4b: {  	[spmem:s2] =	stream.indirect.scatter.add.f32 [tilespmem:s11], [sflag:$0x1], $0x1, s17, s10, $0xb8;
	[tilespmem:$0x1980] =	vst v63  }
0x4c: {  	_ =	swait.ge [sflag:s4], $0x7D  }
0x4d: {  	s17 =	simm.s32 $0x200;
	[sflag:s4] =	ssyncset.done $0x0  }
.LBB2_2:
0x4e: {  	s18 =	sshra.s32 s17, $0x2;
	[sflag:s4] =	ssyncadd.s32 $0xFFFFFF83;
	p0 =	sne.s32 s17, $0x4E00  }
0x4f: {  	[spmem:s2] =	stream.indirect.scatter.add.f32 [tilespmem:s11], [sflag:$0x1], $0x1, s18, s10, $0xb8;
	[tilespmem:$0x1980] =	vst v63  }
.Ltmp0:
0x50: {  	_ = 	snop;
	(pc) =	sbr.rel @p0 .LBB2_2-.Ltmp0, $4  }
0x51: {  	_ = 	snop  }
0x52: {  	s17 =	sadd.s32 $0x200, s17  }
0x53: {  	_ =	swait.ge [sflag:s4], $0x7D  }
0x54: {  	[sflag:s4] =	ssyncset.done $0x0  }
0x55: {  	s16 =	sadd.s32 $0x1, s16  }
0x56: {  	[sflag:s4] =	ssyncadd.s32 $0xFFFFFF83;
	p0 =	sne.s32 s16, s8  }
.Ltmp1:
0x57: {  	[bflag:$0x0] =	sbarrier.arrive $0xFFFF;
	(pc) =	sbr.rel @p0 .LBB2_1-.Ltmp1, $4  }
0x58: {  	[hbm:s7@s14], [sflag:s12] =	dma.strided [spmem:s13@s15], $0x50, s4, $0x10   }
0x59: {  	_ =	swait.ge [sflag:s4], $0x50  }
0x5a: {  	[sflag:s4] =	ssyncset.done $0x0  }
0x5b: {  	[sflag:s4] =	ssyncadd.s32 $0xFFFFFFB0  }
0x5c: {  	_ =	sfence.sel $0x180000  }
0x5d: {  	[bflag:$0x0] =	sbarrier.arrive $0xFFFF  }
0x5e: {  	p0 =	sne.s32 s0, $0x0;
	_ =	strace $0x90000047  }
0x5f: {  	s0 =	sadd.s32 @!p0 $0x100000, s1;
	[bflag:$0x2] =	sbarrier.arrive $0xFFFF  }
0x60: {  	[sflag:s0] =	ssyncadd.tile.s32 @!p0 $0x1;
	_ =	shalt  }
.Lfunc_end2:
_tile_overlayer_lowered:
.L_overlay_start_2:
0x61: {  	(tag) =	ssettag $0x2  }
0x62: {  	s0 =	rddreg [dreg:$0x0];
	s2 =	stileid.u32  }
0x63: {  	s1 =	rddreg [dreg:$0x1];
	p0 =	sne.s32 s2, $0x0  }
0x64: {  	s3 =	rddreg [dreg:$0x2];
	[bflag:$0x3] =	sbarrier.arrive $0xFFFF;
	s2 =	simm.s32 @!p0 $0x1C01  }
0x65: {  	[timem:s3], [sflag:s2] =	dma.local @!p0 [hbm:s0], s1  }
0x66: {  	s0 =	simm.s32 @!p0 $0x1  }
0x67: {  	_ =	swait.ge @!p0 [sflag:s0], s1  }
0x68: {  	s1 =	ssub.s32 @!p0 $0x0, s1;
	[sflag:s0] =	ssyncset.done @!p0 $0x0  }
0x69: {  	[sflag:s0] =	ssyncadd.s32 @!p0 s1  }
0x6a: {  	[bflag:$0x3] =	sbarrier.arrive $0xFFFF  }
0x6b: {  	_ =	shalt  }

// kernel: kernel.9.cloned.1.call-start
scs
__scs_entry_jumppad:
0x0: {  	(pc) =	sbr.rel $0x88, $3  }
0x1: {  	(tag) =	ssettag $0x0;
	lr =	simm.s32 $0x1  }
0x2: {  	[smem:$0x3F96] =	sst lr;
	_ =	strace $0xD0000000  }
0x3: {  	_ = 	snop  }
0x4: {  	_ = 	snop  }
0x5: {  	_ = 	snop  }
0x6: {  	_ = 	snop  }
0x7: {  	_ = 	snop  }
__scs_overlays_trampoline_lowered:
0x8: {  	[smem:$0x3FA5] =	sst s0  }
0x9: {  	[smem:$0x3FA6] =	sst s1  }
0xa: {  	[smem:$0x3FA7] =	sst s2  }
0xb: {  	[smem:$0x3FA8] =	sst s3  }
0xc: {  	[smem:$0x3FA9] =	sst s4  }
0xd: {  	[smem:$0x3FAA] =	sst s5  }
0xe: {  	[smem:$0x3FAB] =	sst s6  }
0xf: {  	[smem:$0x3FAC] =	sst s7  }
0x10: {  	[smem:$0x3FAD] =	sst s8  }
0x11: {  	[smem:$0x3FAE] =	sst s9;
	s0 =	simm.s32 @!p0 $0x0  }
0x12: {  	s1 =	sld [smem:$0x3F94];
	s0 =	simm.s32 @p0 $0x1  }
0x13: {  	[smem:$0x3FAF] =	sst s0;
	s0 =	simm.s32 @!p1 $0x0  }
0x14: {  	s2 =	sld [smem:$0x3F93];
	s0 =	simm.s32 @p1 $0x1  }
0x15: {  	[smem:$0x3FB0] =	sst s0;
	s0 =	simm.s32 @!p2 $0x0  }
0x16: {  	s3 =	sld [smem:$0x3FDB];
	s0 =	simm.s32 @p2 $0x1  }
0x17: {  	s4 =	simm.s32 $0x1BF5;
	[smem:$0x3FB2] =	sst s0  }
0x18: {  	s0 =	sld [smem:$0x3F95];
	_ =	swait.ge [sflag:s4], $0x0  }
0x19: {  	s7 =	sld [smem:$0x3F96]  }
0x1a: {  	s8 =	sadd.s32 $0xFFFFE003, lr  }
0x1b: {  	s9 =	sadd.s32 $0xFFFFFEF7, lr;
	s5 =	simm.s32 $0xFFFFFFFF;
	p2 =	slt.u32 s8, $0xFFFFF086  }
0x1c: {  	p1 =	slt.u32 s9, $0xF7A;
	s5 =	simm.s32 @!p2 $0x0  }
0x1d: {  	s5 =	simm.s32 @p1 $0x1;
	p0 =	seq.s32 s7, s2  }
0x1e: {  	s7 =	smul.u32 @!p0 $0xF7A, s2;
	p2 =	seq.s32 @!p0 s5, $0x0  }
0x1f: {  	s9 =	smul.u32 $0xF7A, s1;
	s8 =	simm.s32 @!p0 $0x1BF5;
	p2 =	por !p2, p0  }
0x20: {  	[sflag:s8] =	ssyncset.s32 @!p0 $0xFFFFF086;
	s6 =	sadd.s32 @!p0 s3, s7;
	s7 =	simm.s32 @!p0 $0x108  }
0x21: {  	s3 =	sadd.s32 s3, s9;
	s6 =	sadd.s32 @!p0 $0x88, s6;
	s7 =	simm.s32 @p2 $0x1082  }
0x22: {  	[simem:s7], [sflag:s8] =	dma.local @!p0 [hbm:s6], $0xF7A  }
0x23: {  	s9 =	sor.u32 $0xD0000000, s2;
	s6 =	simm.s32 $0x108;
	_ =	swait.ge @!p0 [sflag:s8], $0x0  }
0x24: {  	s3 =	sadd.s32 $0x88, s3;
	s6 =	simm.s32 @!p1 $0x1082;
	[sflag:s4] =	ssyncset.s32 $0xFFFFF086  }
0x25: {  	[simem:s6], [sflag:s4] =	dma.local [hbm:s3], $0xF7A  }
0x26: {  	[smem:$0x3F96] =	sst s1;
	(tag) =	ssettag s2;
	_ =	strace s9  }
0x27: {  	s1 =	sld [smem:$0x3FA6]  }
0x28: {  	s2 =	sld [smem:$0x3FA7]  }
0x29: {  	s4 =	sld [smem:$0x3FA9]  }
0x2a: {  	p0 =	seq.s32 s5, $0x0;
	s5 =	sld [smem:$0x3FAA]  }
0x2b: {  	s6 =	sld [smem:$0x3FAB]  }
0x2c: {  	s7 =	sld [smem:$0x3FAC]  }
0x2d: {  	s3 =	simm.s32 $0x108;
	s8 =	sld [smem:$0x3FAD]  }
0x2e: {  	s3 =	simm.s32 @!p0 $0x1082;
	s9 =	sld [smem:$0x3FAE]  }
0x2f: {  	lr =	sadd.s32 s0, s3;
	s0 =	sld [smem:$0x3FA5]  }
0x30: {  	s3 =	sld [smem:$0x3FA8]  }
0x31: {  	[smem:$0x3FB1] =	sst s10  }
0x32: {  	s10 =	sld [smem:$0x3FAF];
	_ =	sdelay $0x3  }
0x33: {  	p0 =	seq.s32 s10, $0x1;
	s10 =	sld [smem:$0x3FB1];
	_ =	sdelay $0x3  }
0x34: {  	[smem:$0x3FB1] =	sst s10  }
0x35: {  	s10 =	sld [smem:$0x3FB0];
	_ =	sdelay $0x3  }
0x36: {  	p1 =	seq.s32 s10, $0x1;
	s10 =	sld [smem:$0x3FB1];
	_ =	sdelay $0x3  }
0x37: {  	[smem:$0x3FB1] =	sst s10  }
0x38: {  	s10 =	sld [smem:$0x3FB2]  }
0x39: {  	_ = 	snop;
	(pc) =	sbr.ind lr, $3  }
0x3a: {  	_ = 	snop  }
0x3b: {  	_ = 	snop  }
0x3c: {  	p2 =	seq.s32 s10, $0x1;
	s10 =	sld [smem:$0x3FB1]  }
0x3d: {  	_ =	shalt  }
0x3e: {  	_ =	shalt  }
0x3f: {  	_ =	shalt  }
0x40: {  	_ =	shalt  }
0x41: {  	_ =	shalt  }
0x42: {  	_ =	shalt  }
0x43: {  	_ =	shalt  }
0x44: {  	_ =	shalt  }
0x45: {  	_ =	shalt  }
0x46: {  	_ =	shalt  }
0x47: {  	_ =	shalt  }
0x48: {  	_ =	shalt  }
0x49: {  	_ =	shalt  }
0x4a: {  	_ =	shalt  }
0x4b: {  	_ =	shalt  }
0x4c: {  	_ =	shalt  }
0x4d: {  	_ =	shalt  }
0x4e: {  	_ =	shalt  }
0x4f: {  	_ =	shalt  }
0x50: {  	_ =	shalt  }
0x51: {  	_ =	shalt  }
0x52: {  	_ =	shalt  }
0x53: {  	_ =	shalt  }
0x54: {  	_ =	shalt  }
0x55: {  	_ =	shalt  }
0x56: {  	_ =	shalt  }
0x57: {  	_ =	shalt  }
0x58: {  	_ =	shalt  }
0x59: {  	_ =	shalt  }
0x5a: {  	_ =	shalt  }
0x5b: {  	_ =	shalt  }
0x5c: {  	_ =	shalt  }
0x5d: {  	_ =	shalt  }
0x5e: {  	_ =	shalt  }
0x5f: {  	_ =	shalt  }
0x60: {  	_ =	shalt  }
0x61: {  	_ =	shalt  }
0x62: {  	_ =	shalt  }
0x63: {  	_ =	shalt  }
0x64: {  	_ =	shalt  }
0x65: {  	_ =	shalt  }
0x66: {  	_ =	shalt  }
0x67: {  	_ =	shalt  }
0x68: {  	_ =	shalt  }
0x69: {  	_ =	shalt  }
0x6a: {  	_ =	shalt  }
0x6b: {  	_ =	shalt  }
0x6c: {  	_ =	shalt  }
0x6d: {  	_ =	shalt  }
0x6e: {  	_ =	shalt  }
0x6f: {  	_ =	shalt  }
0x70: {  	_ =	shalt  }
0x71: {  	_ =	shalt  }
0x72: {  	_ =	shalt  }
0x73: {  	_ =	shalt  }
0x74: {  	_ =	shalt  }
0x75: {  	_ =	shalt  }
0x76: {  	_ =	shalt  }
0x77: {  	_ =	shalt  }
0x78: {  	_ =	shalt  }
0x79: {  	_ =	shalt  }
0x7a: {  	_ =	shalt  }
0x7b: {  	_ =	shalt  }
0x7c: {  	_ =	shalt  }
0x7d: {  	_ =	shalt  }
0x7e: {  	_ =	shalt  }
0x7f: {  	_ =	shalt  }
0x80: {  	_ =	shalt  }
0x81: {  	_ =	shalt  }
0x82: {  	_ =	shalt  }
0x83: {  	_ =	shalt  }
0x84: {  	_ =	shalt  }
0x85: {  	_ =	shalt  }
0x86: {  	_ =	shalt  }
0x87: {  	_ =	shalt  }
.Lfunc_end0:
.L_simem_size_0:
called_computation.1_lowered:
.L_overlay_start_0:
0x88: {  	s2 =	sld [smem:$0x3FD9]  }
0x89: {  	s3 =	sld [smem:$0x3FFE];
	_ =	sdelay $0x1  }
0x8a: {  	s1 =	srdreg.scid  }
0x8b: {  	s0 =	sand.u32 $0x1, s1  }
0x8c: {  	s16 =	sshll.u32 s0, $0xA;
	s2 =	sadd.s32 s3, s2  }
0x8d: {  	s2 =	sadd.s32 s2, s16  }
0x8e: {  	[smem:$0x3FBD] =	sst s2  }
0x8f: {  	_ = 	snop  }
0x90: {  	(tm) =	ssettm $0x1  }
0x91: {  	s17 =	sld [smem:$0x3FFB];
	_ =	sdelay $0x3  }
0x92: {  	_ =	strace s17  }
0x93: {  	s2 =	sld [smem:$0x3FFC];
	_ =	sdelay $0x3  }
0x94: {  	_ =	strace s2  }
0x95: {  	s2 =	sld [smem:$0x3FFD];
	_ =	sdelay $0x3  }
0x96: {  	_ =	strace s2  }
0x97: {  	_ =	strace $0x8FFFFFFF  }
0x98: {  	s18 =	sld [smem:$0x3FDB];
	_ =	sdelay $0x1  }
0x99: {  	s19 =	simm.s32 $_scs_section_size  }
0x9a: {  	s4 =	simm.s32 $_size__tile_overlayer_lowered;
	s5 =	simm.s32 $_tile_overlayer_lowered  }
0x9b: {  	s22 =	simm.s32 $0x1BFF;
	s21 =	sshll.u32 s5, $0x1;
	s2 =	sadd.s32 s19, s18  }
0x9c: {  	s6 =	simm.s32 $0x0;
	s20 =	sshll.u32 s4, $0x1;
	s4 =	sadd.s32 s21, s2  }
0x9d: {  	[timem:s6], [sflag:s22] =	dma.local [hbm:s4], s20  }
0x9e: {  	_ =	swait.ge [sflag:s22], s20  }
0x9f: {  	s3 =	ssub.s32 $0x0, s20;
	[sflag:s22] =	ssyncset.done $0x0  }
0xa0: {  	[sflag:s22] =	ssyncadd.s32 s3;
	_ =	sdelay $0x1  }
0xa1: {  	s23 =	simm.s32 $0x1B8B  }
0xa2: {  	_ =	swait.ge [sflag:s23], $0x1  }
0xa3: {  	[sflag:s23] =	ssyncset.done $0x0  }
0xa4: {  	s25 =	simm.s32 $0x1B8E;
	s24 =	sld [smem:$0x3FFE];
	[sflag:s23] =	ssyncadd.s32 $0xFFFFFFFF  }
0xa5: {  	s26 =	simm.s32 $execute0_lowered;
	[smem:$0x3FD2] =	sst s25  }
0xa6: {  	s4 =	sshll.u32 s26, $0x1;
	_ =	strace $0x80000049;
	[dreg:$0x1] =	wrdreg $0xFFFFFFFF  }
0xa7: {  	s28 =	simm.s32 $_size_execute0_lowered;
	s2 =	sadd.s32 s2, s4;
	[dreg:$0x0] =	wrdreg $0x0  }
0xa8: {  	s4 =	sshll.u32 s28, $0x1;
	[dreg:$0x2] =	wrdreg s2  }
0xa9: {  	[dreg:$0x3] =	wrdreg s4  }
0xaa: {  	[dreg:$0x4] =	wrdreg $0xC0  }
0xab: {  	_ =	task [dreg:s6], $0x5FFFF  }
0xac: {  	[dreg:$0x1] =	wrdreg $0xFFFFFFFF  }
0xad: {  	[dreg:$0x0] =	wrdreg $0x60  }
0xae: {  	[dreg:$0x2] =	wrdreg s24  }
0xaf: {  	[dreg:$0x3] =	wrdreg $0xA8000  }
0xb0: {  	[dreg:$0x4] =	wrdreg $0x9  }
0xb1: {  	_ =	task.clear_ibuf [dreg:s6], $0x5FFFF;
	_ =	strace $0x90000049  }
0xb2: {  	s29 =	simm.s32 $0x9;
	_ =	strace $0x8000004B  }
0xb3: {  	_ =	swait.ge [sflag:s29], $0x1  }
0xb4: {  	[sflag:s29] =	ssyncadd.s32 $0xFFFFFFFF  }
0xb5: {  	_ =	strace $0x9000004B  }
0xb6: {  	_ =	sfence  }
0xb7: {  	s30 =	sld [smem:$0x0];
	_ =	sdelay $0x2  }
0xb8: {  	s31 =	sshll.u32 s1, $0xD;
	s1 =	sshrl.u32 s1, $0x2  }
0xb9: {  	s3 =	sand.u32 $0x4000, s31;
	s1 =	sadd.s32 s1, s30  }
0xba: {  	s0 =	sor.u32 s3, s0;
	s1 =	sshll.u32 s1, $0x11  }
0xbb: {  	s0 =	sor.u32 s1, s0  }
0xbc: {  	s0 =	sadd.s32 $0x8F2B, s0  }
0xbd: {  	[sflag:s0] =	ssyncadd.remote.s32 $0x1  }
0xbe: {  	_ =	sfence.sel $0xFFFF  }
0xbf: {  	[dreg:$0x0] =	wrdreg $0xFFFFFFFF;
	(pc) =	sbr.abs _section_cstart, $3  }
0xc0: {  	[dreg:$0x1] =	wrdreg $0xFFFFFFFF  }
0xc1: {  	_ =	task.clear_ibuf [dreg:s6], $0x2FFFF;
	_ =	strace $0x9FFFFFFF  }
0xc2: {  	(tm) =	ssettm $0x7FFFFFFF  }
0xc3: {  	_ =	shalt  }
tec
execute0_lowered:
.L_overlay_start_1:
0x0: {  	(tag) =	ssettag $0x1  }
0x1: {  	s0 =	rddreg [dreg:$0x0]  }
0x2: {  	s2 =	rddreg [dreg:$0x1];
	s3 =	simm.s32 $0x0  }
0x3: {  	s10 =	stileid.u32;
	s1 =	srdreg.scid;
	s30 =	simm.s32 $0x3  }
0x4: {  	s31 =	simm.s32 $0x1400;
	[smem:$0x7FF] =	sst s3;
	s4 =	smul.u32 $0x2800, s10  }
0x5: {  	s5 =	sadd.s32 $0xC800, s0;
	s6 =	sadd.s32 $0x34800, s0;
	s8 =	smul.u32 $0x280, s10  }
0x6: {  	s1 =	sand.u32 $0x1, s1;
	s10 =	smul.u32 $0x50000, s10;
	s11 =	sadd.s32 $0x5C800, s0  }
0x7: {  	_ =	strace $0x8000004A;
	s9 =	ssub.s32 $0x2, s1;
	[dreg:$0x3] =	wrdreg s11  }
0x8: {  	p0 =	sne.s32 s1, $0x0;
	s7 =	sshrl.u32 s4, $0x3;
	s15 =	sshrl.u32 s9, $0x1  }
0x9: {  	s16 =	sshrl.u32 s10, $0x2;
	s12 =	sadd.s32 $0x80, s8;
	s19 =	sadd.s32 $0x100, s8  }
0xa: {  	s14 =	sadd.s32 $0x180, s8;
	s8 =	sadd.s32 $0x200, s8;
	s28 =	sadd.s32 s6, s4  }
0xb: {  	s29 =	sadd.s32 s5, s4;
	s7 =	sadd.s32 s7, s0;
	s0 =	sadd.s32 $0x84800, s0  }
0xc: {  	s17 =	sshll.u32 s12, $0x7;
	s18 =	sshll.u32 s12, $0x4;
	[dreg:$0xe] =	wrdreg s28  }
0xd: {  	s13 =	sshll.u32 s19, $0x7;
	s12 =	sshll.u32 s19, $0x4;
	[dreg:$0xf] =	wrdreg s29  }
0xe: {  	s19 =	simm.s32 $0x2780;
	[dreg:$0x4] =	wrdreg s0;
	s0 =	ssub.s32 s9, s15  }
0xf: {  	s9 =	sadd.s32 s16, s2;
	s11 =	sadd.s32 s17, s2;
	s20 =	sadd.s32 s6, s18  }
0x10: {  	s13 =	sadd.s32 s13, s2;
	s15 =	sshll.u32 s14, $0x7;
	s21 =	sadd.s32 s6, s12  }
0x11: {  	s14 =	sshll.u32 s14, $0x4;
	s16 =	sshll.u32 s8, $0x7;
	[dreg:$0x5] =	wrdreg s9  }
0x12: {  	s8 =	sshll.u32 s8, $0x4;
	s24 =	sadd.s32 s5, s12;
	[dreg:$0x6] =	wrdreg s20  }
0x13: {  	s12 =	simm.s32 $0x1;
	s10 =	smax.u32 s0, $0x1;
	[dreg:$0x7] =	wrdreg s21  }
0x14: {  	s15 =	sadd.s32 s15, s2;
	s22 =	sadd.s32 s6, s14;
	s17 =	sadd.s32 s16, s2  }
0x15: {  	s23 =	sadd.s32 s6, s8;
	s0 =	sadd.s32 s5, s18;
	[dreg:$0xb] =	wrdreg s24  }
0x16: {  	s25 =	sadd.s32 s5, s14;
	s26 =	sadd.s32 s5, s8;
	[dreg:$0x8] =	wrdreg s22  }
.Ltmp0:
0x17: {  	s24 =	sadd.s32 $0x7800, s7;
	[dreg:$0x9] =	wrdreg s23;
	(pc) =	sbr.rel .LBB2_1-.Ltmp0, $4  }
0x18: {  	s8 =	simm.s32 $0x6800;
	s14 =	simm.s32 $0x2;
	[dreg:$0xa] =	wrdreg s0  }
0x19: {  	s16 =	simm.s32 $0x1380;
	s18 =	simm.s32 $0x2700;
	[dreg:$0xc] =	wrdreg s25  }
0x1a: {  	[dreg:$0xd] =	wrdreg s26;
	s23 =	sadd.s32 $0x2800, s7;
	s25 =	sadd.s32 $0x2A80, s7  }
0x1b: {  	s26 =	sadd.s32 $0x7A80, s7;
	s0 =	simm.s32 $0x7D;
	s7 =	simm.s32 $0x2800  }
.LBB2_11:
0x1c: {  	s1 =	sadd.s32 $0x80, s22;
	[sflag:s30] =	ssyncadd.s32 $0xFFFFC180  }
0x1d: {  	[tilespmem:s8], [sflag:$0x2] =	stream.indirect.gather [hbm4b:s6+s0], $0x80, s1, s0, $0xb8;
	[tilespmem:$0x1E800] =	vst v63  }
0x1e: {  	_ =	swait.ge [sflag:s12], $0x3E80  }
0x1f: {  	[sflag:s12] =	ssyncset.done $0x0  }
0x20: {  	s9 =	sadd.s32 $0x1400, s22;
	[sflag:s12] =	ssyncadd.s32 $0xFFFFC180  }
0x21: {  	[spmem:s2] =	stream.indirect.scatter.add.f32 [tilespmem:s7], [sflag:$0x3], $0x80, s9, s0, $0xb8;
	[tilespmem:$0x1E800] =	vst v63  }
0x22: {  	_ =	swait.ge [sflag:s30], $0x3E80  }
0x23: {  	[sflag:s30] =	ssyncset.done $0x0  }
0x24: {  	s28 =	sadd.s32 $0x100, s22;
	[sflag:s30] =	ssyncadd.s32 $0xFFFFC180  }
0x25: {  	[tilespmem:s7], [sflag:$0x1] =	stream.indirect.gather [hbm4b:s6+s0], $0x80, s28, s0, $0xb8;
	[tilespmem:$0x1E800] =	vst v63  }
0x26: {  	_ =	swait.ge [sflag:s14], $0x3E80  }
0x27: {  	[sflag:s14] =	ssyncset.done $0x0  }
0x28: {  	s29 =	sadd.s32 $0x1480, s22;
	[sflag:s14] =	ssyncadd.s32 $0xFFFFC180  }
0x29: {  	[spmem:s2] =	stream.indirect.scatter.add.f32 [tilespmem:s8], [sflag:$0x3], $0x80, s29, s0, $0xb8;
	[tilespmem:$0x1E800] =	vst v63  }
0x2a: {  	_ =	swait.ge [sflag:s30], $0x3E80  }
0x2b: {  	[sflag:s30] =	ssyncset.done $0x0  }
0x2c: {  	[sflag:s30] =	ssyncadd.s32 $0xFFFFC180  }
0x2d: {  	[tilespmem:s8], [sflag:$0x2] =	stream.indirect.gather [hbm4b:s6+s0], $0x80, s16, s0, $0xb8;
	[tilespmem:$0x1E800] =	vst v63  }
0x2e: {  	_ =	swait.ge [sflag:s12], $0x3E80  }
0x2f: {  	[sflag:s12] =	ssyncset.done $0x0  }
0x30: {  	[sflag:s12] =	ssyncadd.s32 $0xFFFFC180  }
0x31: {  	[spmem:s2] =	stream.indirect.scatter.add.f32 [tilespmem:s7], [sflag:$0x3], $0x80, s18, s0, $0xb8;
	[tilespmem:$0x1E800] =	vst v63  }
0x32: {  	_ =	swait.ge [sflag:s30], $0x3E80  }
0x33: {  	[sflag:s30] =	ssyncset.done $0x0  }
0x34: {  	[sflag:s30] =	ssyncadd.s32 $0xFFFFC180  }
0x35: {  	_ =	swait.ge [sflag:s14], $0x3E80  }
0x36: {  	[sflag:s14] =	ssyncset.done $0x0  }
0x37: {  	[sflag:s14] =	ssyncadd.s32 $0xFFFFC180  }
0x38: {  	[spmem:s2] =	stream.indirect.scatter.add.f32 [tilespmem:s8], [sflag:$0x3], $0x80, s19, s0, $0xb8;
	[tilespmem:$0x1E800] =	vst v63  }
0x39: {  	_ =	swait.ge [sflag:s30], $0x3E80  }
0x3a: {  	[sflag:s30] =	ssyncset.done $0x0  }
0x3b: {  	[sflag:s30] =	ssyncadd.s32 $0xFFFFC180  }
0x3c: {  	[bflag:$0x0] =	sbarrier.arrive $0xFFFF  }
0x3d: {  	s1 =	rddreg [dreg:$0x4]  }
.LBB2_12:
0x3e: {  	s3 =	sadd.s32 $0x1, s3  }
0x3f: {  	p1 =	sne.s32 s3, s10  }
.Ltmp1:
0x40: {  	s1 =	sadd.s32 s1, s4;
	(pc) =	sbr.rel @!p1 .LBB2_13-.Ltmp1, $4  }
0x41: {  	[hbm:s1], [sflag:s21] =	dma.local [spmem:s20], $0x2800  }
0x42: {  	_ =	swait.ge [sflag:s30], $0x2800  }
0x43: {  	[sflag:s30] =	ssyncset.done $0x0  }
0x44: {  	[sflag:s30] =	ssyncadd.s32 $0xFFFFD800  }
.LBB2_1:
.Ltmp2:
0x45: {  	(pc) =	sbr.rel @p0 .LBB2_7-.Ltmp2, $4  }
0x46: {  	_ = 	snop  }
0x47: {  	s1 =	stileid.u32  }
0x48: {  	s9 =	rddreg [dreg:$0x5];
	s1 =	sshll.u32 s1, $0x6  }
0x49: {  	s20 =	sshrl.u32 s9, $0x3;
	s21 =	sor.u32 $0x1C03, s1  }
0x4a: {  	s1 =	rddreg [dreg:$0xf]  }
0x4b: {  	[spmem:s20], [sflag:s21] =	dma.local [hbm:s1], $0x800  }
0x4c: {  	_ =	swait.ge [sflag:s30], $0x800  }
0x4d: {  	[sflag:s30] =	ssyncset.done $0x0  }
0x4e: {  	s29 =	sshrl.u32 s11, $0x3;
	s9 =	rddreg [dreg:$0xa];
	[sflag:s30] =	ssyncadd.s32 $0xFFFFF800  }
0x4f: {  	[spmem:s29], [sflag:s21] =	dma.local [hbm:s9], $0x800  }
0x50: {  	_ =	swait.ge [sflag:s30], $0x800  }
0x51: {  	[sflag:s30] =	ssyncset.done $0x0  }
0x52: {  	s9 =	sshrl.u32 s13, $0x3;
	s22 =	rddreg [dreg:$0xb];
	[sflag:s30] =	ssyncadd.s32 $0xFFFFF800  }
0x53: {  	[spmem:s9], [sflag:s21] =	dma.local [hbm:s22], $0x800  }
0x54: {  	_ =	swait.ge [sflag:s30], $0x800  }
0x55: {  	[sflag:s30] =	ssyncset.done $0x0  }
0x56: {  	s28 =	sshrl.u32 s15, $0x3;
	s29 =	rddreg [dreg:$0xc];
	[sflag:s30] =	ssyncadd.s32 $0xFFFFF800  }
0x57: {  	[spmem:s28], [sflag:s21] =	dma.local [hbm:s29], $0x800  }
0x58: {  	_ =	swait.ge [sflag:s30], $0x800  }
0x59: {  	[sflag:s30] =	ssyncset.done $0x0  }
0x5a: {  	s22 =	sshrl.u32 s17, $0x3;
	s28 =	rddreg [dreg:$0xd];
	[sflag:s30] =	ssyncadd.s32 $0xFFFFF800  }
0x5b: {  	[spmem:s22], [sflag:s21] =	dma.local [hbm:s28], $0x800  }
0x5c: {  	_ =	swait.ge [sflag:s30], $0x800  }
0x5d: {  	[sflag:s30] =	ssyncset.done $0x0  }
0x5e: {  	[sflag:s30] =	ssyncadd.s32 $0xFFFFF800  }
0x5f: {  	s29 =	simm.s32 $0x0;
	[bflag:$0x0] =	sbarrier.arrive $0xFFFF  }
0x60: {  	[tilespmem:s29], [sflag:$0x3] =	stream.linear.gather [hbm4b:s23+s29], $0x1400, $0x38;
	[tilespmem:$0x1E800] =	vst v63  }
0x61: {  	_ =	swait.ge [sflag:s30], $0x1400  }
0x62: {  	[sflag:s30] =	ssyncset.done $0x0  }
0x63: {  	[sflag:s30] =	ssyncadd.s32 $0xFFFFEC00  }
0x64: {  	[tilespmem:s31], [sflag:$0x3] =	stream.linear.gather [hbm4b:s24+s29], $0x1400, $0x38;
	[tilespmem:$0x1E800] =	vst v63  }
0x65: {  	_ =	swait.ge [sflag:s30], $0x1400  }
0x66: {  	[sflag:s30] =	ssyncset.done $0x0  }
0x67: {  	[sflag:s30] =	ssyncadd.s32 $0xFFFFEC00  }
0x68: {  	[tilespmem:s7], [sflag:$0x1] =	stream.indirect.gather [hbm4b:s5+s0], $0x80, s29, s0, $0xb8;
	[tilespmem:$0x1E800] =	vst v63  }
0x69: {  	s9 =	simm.s32 $0x80  }
0x6a: {  	[tilespmem:s8], [sflag:$0x2] =	stream.indirect.gather [hbm4b:s5+s0], $0x80, s9, s0, $0xb8;
	[tilespmem:$0x1E800] =	vst v63  }
0x6b: {  	_ =	swait.ge [sflag:s12], $0x3E80  }
0x6c: {  	[sflag:s12] =	ssyncset.done $0x0  }
0x6d: {  	s22 =	simm.s32 $0x1400;
	[sflag:s12] =	ssyncadd.s32 $0xFFFFC180  }
0x6e: {  	[spmem:s2] =	stream.indirect.scatter.add.f32 [tilespmem:s7], [sflag:$0x3], $0x80, s22, s0, $0xb8;
	[tilespmem:$0x1E800] =	vst v63  }
0x6f: {  	_ =	swait.ge [sflag:s30], $0x3E80  }
0x70: {  	[sflag:s30] =	ssyncset.done $0x0  }
0x71: {  	s28 =	simm.s32 $0x100;
	[sflag:s30] =	ssyncadd.s32 $0xFFFFC180  }
0x72: {  	[tilespmem:s7], [sflag:$0x1] =	stream.indirect.gather [hbm4b:s5+s0], $0x80, s28, s0, $0xb8;
	[tilespmem:$0x1E800] =	vst v63  }
0x73: {  	_ =	swait.ge [sflag:s14], $0x3E80  }
0x74: {  	[sflag:s14] =	ssyncset.done $0x0  }
0x75: {  	s29 =	simm.s32 $0x1480;
	[sflag:s14] =	ssyncadd.s32 $0xFFFFC180  }
0x76: {  	[spmem:s2] =	stream.indirect.scatter.add.f32 [tilespmem:s8], [sflag:$0x3], $0x80, s29, s0, $0xb8;
	[tilespmem:$0x1E800] =	vst v63  }
0x77: {  	_ =	swait.ge [sflag:s30], $0x3E80  }
0x78: {  	s1 =	simm.s32 $0x800;
	s22 =	simm.s32 $0x100;
	[sflag:s30] =	ssyncset.done $0x0  }
.LBB2_3:
0x79: {  	s28 =	sadd.s32 $0x80, s22  }
0x7a: {  	[sflag:s30] =	ssyncadd.s32 $0xFFFFC180;
	s29 =	smov.u32 s1;
	s9 =	sadd.s32 $0x400, s1  }
0x7b: {  	[tilespmem:s8], [sflag:$0x2] =	stream.indirect.gather [hbm4b:s5+s0], $0x80, s28, s0, $0xb8;
	[tilespmem:$0x1E800] =	vst v63  }
0x7c: {  	p1 =	sne.s32 s1, $0x4800;
	_ =	swait.ge [sflag:s12], $0x3E80  }
0x7d: {  	[sflag:s12] =	ssyncset.done $0x0  }
0x7e: {  	s1 =	sadd.s32 $0x1400, s22;
	[sflag:s12] =	ssyncadd.s32 $0xFFFFC180  }
0x7f: {  	[spmem:s2] =	stream.indirect.scatter.add.f32 [tilespmem:s7], [sflag:$0x3], $0x80, s1, s0, $0xb8;
	[tilespmem:$0x1E800] =	vst v63  }
0x80: {  	_ =	swait.ge [sflag:s30], $0x3E80  }
0x81: {  	[sflag:s30] =	ssyncset.done $0x0  }
0x82: {  	s1 =	sadd.s32 $0x100, s22;
	[sflag:s30] =	ssyncadd.s32 $0xFFFFC180  }
0x83: {  	[tilespmem:s7], [sflag:$0x1] =	stream.indirect.gather [hbm4b:s5+s0], $0x80, s1, s0, $0xb8;
	[tilespmem:$0x1E800] =	vst v63  }
0x84: {  	_ =	swait.ge [sflag:s14], $0x3E80  }
.Ltmp3:
0x85: {  	[sflag:s14] =	ssyncset.done $0x0;
	(pc) =	sbr.rel @p1 .LBB2_3-.Ltmp3, $4  }
0x86: {  	s1 =	sadd.s32 $0x1480, s22;
	[sflag:s14] =	ssyncadd.s32 $0xFFFFC180  }
0x87: {  	[spmem:s2] =	stream.indirect.scatter.add.f32 [tilespmem:s8], [sflag:$0x3], $0x80, s1, s0, $0xb8;
	[tilespmem:$0x1E800] =	vst v63  }
0x88: {  	_ =	swait.ge [sflag:s30], $0x3E80  }
0x89: {  	s22 =	sshra.s32 s29, $0x2;
	s1 =	smov.u32 s9;
	[sflag:s30] =	ssyncset.done $0x0  }
0x8a: {  	s1 =	sadd.s32 $0x80, s22;
	[sflag:s30] =	ssyncadd.s32 $0xFFFFC180  }
0x8b: {  	[tilespmem:s8], [sflag:$0x2] =	stream.indirect.gather [hbm4b:s5+s0], $0x80, s1, s0, $0xb8;
	[tilespmem:$0x1E800] =	vst v63  }
0x8c: {  	_ =	swait.ge [sflag:s12], $0x3E80  }
0x8d: {  	[sflag:s12] =	ssyncset.done $0x0  }
0x8e: {  	s29 =	sadd.s32 $0x1400, s22;
	[sflag:s12] =	ssyncadd.s32 $0xFFFFC180  }
0x8f: {  	[spmem:s2] =	stream.indirect.scatter.add.f32 [tilespmem:s7], [sflag:$0x3], $0x80, s29, s0, $0xb8;
	[tilespmem:$0x1E800] =	vst v63  }
0x90: {  	_ =	swait.ge [sflag:s30], $0x3E80  }
0x91: {  	[sflag:s30] =	ssyncset.done $0x0  }
0x92: {  	s9 =	sadd.s32 $0x100, s22;
	[sflag:s30] =	ssyncadd.s32 $0xFFFFC180  }
0x93: {  	[tilespmem:s7], [sflag:$0x1] =	stream.indirect.gather [hbm4b:s5+s0], $0x80, s9, s0, $0xb8;
	[tilespmem:$0x1E800] =	vst v63  }
0x94: {  	_ =	swait.ge [sflag:s14], $0x3E80  }
0x95: {  	[sflag:s14] =	ssyncset.done $0x0  }
0x96: {  	s28 =	sadd.s32 $0x1480, s22;
	[sflag:s14] =	ssyncadd.s32 $0xFFFFC180  }
0x97: {  	[spmem:s2] =	stream.indirect.scatter.add.f32 [tilespmem:s8], [sflag:$0x3], $0x80, s28, s0, $0xb8;
	[tilespmem:$0x1E800] =	vst v63  }
0x98: {  	_ =	swait.ge [sflag:s30], $0x3E80  }
0x99: {  	[sflag:s30] =	ssyncset.done $0x0  }
0x9a: {  	[sflag:s30] =	ssyncadd.s32 $0xFFFFC180  }
0x9b: {  	[tilespmem:s8], [sflag:$0x2] =	stream.indirect.gather [hbm4b:s5+s0], $0x80, s16, s0, $0xb8;
	[tilespmem:$0x1E800] =	vst v63  }
0x9c: {  	_ =	swait.ge [sflag:s12], $0x3E80  }
0x9d: {  	[sflag:s12] =	ssyncset.done $0x0  }
0x9e: {  	[sflag:s12] =	ssyncadd.s32 $0xFFFFC180  }
0x9f: {  	[spmem:s2] =	stream.indirect.scatter.add.f32 [tilespmem:s7], [sflag:$0x3], $0x80, s18, s0, $0xb8;
	[tilespmem:$0x1E800] =	vst v63  }
0xa0: {  	_ =	swait.ge [sflag:s30], $0x3E80  }
0xa1: {  	[sflag:s30] =	ssyncset.done $0x0  }
0xa2: {  	[sflag:s30] =	ssyncadd.s32 $0xFFFFC180  }
0xa3: {  	_ =	swait.ge [sflag:s14], $0x3E80  }
0xa4: {  	[sflag:s14] =	ssyncset.done $0x0  }
0xa5: {  	[sflag:s14] =	ssyncadd.s32 $0xFFFFC180  }
0xa6: {  	[spmem:s2] =	stream.indirect.scatter.add.f32 [tilespmem:s8], [sflag:$0x3], $0x80, s19, s0, $0xb8;
	[tilespmem:$0x1E800] =	vst v63  }
0xa7: {  	_ =	swait.ge [sflag:s30], $0x3E80  }
0xa8: {  	[sflag:s30] =	ssyncset.done $0x0  }
0xa9: {  	s29 =	simm.s32 $0x0;
	[sflag:s30] =	ssyncadd.s32 $0xFFFFC180  }
0xaa: {  	[tilespmem:s29], [sflag:$0x3] =	stream.linear.gather [hbm4b:s25+s29], $0x1400, $0x38;
	[tilespmem:$0x1E800] =	vst v63  }
0xab: {  	_ =	swait.ge [sflag:s30], $0x1400  }
0xac: {  	[sflag:s30] =	ssyncset.done $0x0  }
0xad: {  	[sflag:s30] =	ssyncadd.s32 $0xFFFFEC00  }
0xae: {  	[tilespmem:s31], [sflag:$0x3] =	stream.linear.gather [hbm4b:s26+s29], $0x1400, $0x38;
	[tilespmem:$0x1E800] =	vst v63  }
0xaf: {  	_ =	swait.ge [sflag:s30], $0x1400  }
0xb0: {  	[sflag:s30] =	ssyncset.done $0x0  }
0xb1: {  	[sflag:s30] =	ssyncadd.s32 $0xFFFFEC00  }
0xb2: {  	[tilespmem:s7], [sflag:$0x1] =	stream.indirect.gather [hbm4b:s5+s0], $0x80, s29, s0, $0xb8;
	[tilespmem:$0x1E800] =	vst v63  }
0xb3: {  	s9 =	simm.s32 $0x80  }
0xb4: {  	[tilespmem:s8], [sflag:$0x2] =	stream.indirect.gather [hbm4b:s5+s0], $0x80, s9, s0, $0xb8;
	[tilespmem:$0x1E800] =	vst v63  }
0xb5: {  	_ =	swait.ge [sflag:s12], $0x3E80  }
0xb6: {  	[sflag:s12] =	ssyncset.done $0x0  }
0xb7: {  	s22 =	simm.s32 $0x1400;
	[sflag:s12] =	ssyncadd.s32 $0xFFFFC180  }
0xb8: {  	[spmem:s2] =	stream.indirect.scatter.add.f32 [tilespmem:s7], [sflag:$0x3], $0x80, s22, s0, $0xb8;
	[tilespmem:$0x1E800] =	vst v63  }
0xb9: {  	_ =	swait.ge [sflag:s30], $0x3E80  }
0xba: {  	[sflag:s30] =	ssyncset.done $0x0  }
0xbb: {  	s28 =	simm.s32 $0x100;
	[sflag:s30] =	ssyncadd.s32 $0xFFFFC180  }
0xbc: {  	[tilespmem:s7], [sflag:$0x1] =	stream.indirect.gather [hbm4b:s5+s0], $0x80, s28, s0, $0xb8;
	[tilespmem:$0x1E800] =	vst v63  }
0xbd: {  	_ =	swait.ge [sflag:s14], $0x3E80  }
0xbe: {  	[sflag:s14] =	ssyncset.done $0x0  }
0xbf: {  	s29 =	simm.s32 $0x1480;
	[sflag:s14] =	ssyncadd.s32 $0xFFFFC180  }
0xc0: {  	[spmem:s2] =	stream.indirect.scatter.add.f32 [tilespmem:s8], [sflag:$0x3], $0x80, s29, s0, $0xb8;
	[tilespmem:$0x1E800] =	vst v63  }
0xc1: {  	_ =	swait.ge [sflag:s30], $0x3E80  }
0xc2: {  	s1 =	simm.s32 $0x800;
	s22 =	simm.s32 $0x100;
	[sflag:s30] =	ssyncset.done $0x0  }
.LBB2_5:
0xc3: {  	s9 =	sadd.s32 $0x80, s22  }
0xc4: {  	[sflag:s30] =	ssyncadd.s32 $0xFFFFC180;
	s28 =	smov.u32 s1;
	s29 =	sadd.s32 $0x400, s1  }
0xc5: {  	[tilespmem:s8], [sflag:$0x2] =	stream.indirect.gather [hbm4b:s5+s0], $0x80, s9, s0, $0xb8;
	[tilespmem:$0x1E800] =	vst v63  }
0xc6: {  	p1 =	sne.s32 s1, $0x4800;
	_ =	swait.ge [sflag:s12], $0x3E80  }
0xc7: {  	[sflag:s12] =	ssyncset.done $0x0  }
0xc8: {  	s1 =	sadd.s32 $0x1400, s22;
	[sflag:s12] =	ssyncadd.s32 $0xFFFFC180  }
0xc9: {  	[spmem:s2] =	stream.indirect.scatter.add.f32 [tilespmem:s7], [sflag:$0x3], $0x80, s1, s0, $0xb8;
	[tilespmem:$0x1E800] =	vst v63  }
0xca: {  	_ =	swait.ge [sflag:s30], $0x3E80  }
0xcb: {  	[sflag:s30] =	ssyncset.done $0x0  }
0xcc: {  	s1 =	sadd.s32 $0x100, s22;
	[sflag:s30] =	ssyncadd.s32 $0xFFFFC180  }
0xcd: {  	[tilespmem:s7], [sflag:$0x1] =	stream.indirect.gather [hbm4b:s5+s0], $0x80, s1, s0, $0xb8;
	[tilespmem:$0x1E800] =	vst v63  }
0xce: {  	_ =	swait.ge [sflag:s14], $0x3E80  }
.Ltmp4:
0xcf: {  	[sflag:s14] =	ssyncset.done $0x0;
	(pc) =	sbr.rel @p1 .LBB2_5-.Ltmp4, $4  }
0xd0: {  	s1 =	sadd.s32 $0x1480, s22;
	[sflag:s14] =	ssyncadd.s32 $0xFFFFC180  }
0xd1: {  	[spmem:s2] =	stream.indirect.scatter.add.f32 [tilespmem:s8], [sflag:$0x3], $0x80, s1, s0, $0xb8;
	[tilespmem:$0x1E800] =	vst v63  }
0xd2: {  	_ =	swait.ge [sflag:s30], $0x3E80  }
0xd3: {  	s22 =	sshra.s32 s28, $0x2;
	s1 =	smov.u32 s29;
	[sflag:s30] =	ssyncset.done $0x0  }
0xd4: {  	s1 =	sadd.s32 $0x80, s22;
	[sflag:s30] =	ssyncadd.s32 $0xFFFFC180  }
0xd5: {  	[tilespmem:s8], [sflag:$0x2] =	stream.indirect.gather [hbm4b:s5+s0], $0x80, s1, s0, $0xb8;
	[tilespmem:$0x1E800] =	vst v63  }
0xd6: {  	_ =	swait.ge [sflag:s12], $0x3E80  }
0xd7: {  	[sflag:s12] =	ssyncset.done $0x0  }
0xd8: {  	s9 =	sadd.s32 $0x1400, s22;
	[sflag:s12] =	ssyncadd.s32 $0xFFFFC180  }
0xd9: {  	[spmem:s2] =	stream.indirect.scatter.add.f32 [tilespmem:s7], [sflag:$0x3], $0x80, s9, s0, $0xb8;
	[tilespmem:$0x1E800] =	vst v63  }
0xda: {  	_ =	swait.ge [sflag:s30], $0x3E80  }
0xdb: {  	[sflag:s30] =	ssyncset.done $0x0  }
0xdc: {  	s28 =	sadd.s32 $0x100, s22;
	[sflag:s30] =	ssyncadd.s32 $0xFFFFC180  }
0xdd: {  	[tilespmem:s7], [sflag:$0x1] =	stream.indirect.gather [hbm4b:s5+s0], $0x80, s28, s0, $0xb8;
	[tilespmem:$0x1E800] =	vst v63  }
0xde: {  	_ =	swait.ge [sflag:s14], $0x3E80  }
0xdf: {  	[sflag:s14] =	ssyncset.done $0x0  }
0xe0: {  	s29 =	sadd.s32 $0x1480, s22;
	[sflag:s14] =	ssyncadd.s32 $0xFFFFC180  }
0xe1: {  	[spmem:s2] =	stream.indirect.scatter.add.f32 [tilespmem:s8], [sflag:$0x3], $0x80, s29, s0, $0xb8;
	[tilespmem:$0x1E800] =	vst v63  }
0xe2: {  	_ =	swait.ge [sflag:s30], $0x3E80  }
0xe3: {  	[sflag:s30] =	ssyncset.done $0x0  }
0xe4: {  	[sflag:s30] =	ssyncadd.s32 $0xFFFFC180  }
0xe5: {  	[tilespmem:s8], [sflag:$0x2] =	stream.indirect.gather [hbm4b:s5+s0], $0x80, s16, s0, $0xb8;
	[tilespmem:$0x1E800] =	vst v63  }
0xe6: {  	_ =	swait.ge [sflag:s12], $0x3E80  }
0xe7: {  	[sflag:s12] =	ssyncset.done $0x0  }
0xe8: {  	[sflag:s12] =	ssyncadd.s32 $0xFFFFC180  }
0xe9: {  	[spmem:s2] =	stream.indirect.scatter.add.f32 [tilespmem:s7], [sflag:$0x3], $0x80, s18, s0, $0xb8;
	[tilespmem:$0x1E800] =	vst v63  }
0xea: {  	_ =	swait.ge [sflag:s30], $0x3E80  }
0xeb: {  	[sflag:s30] =	ssyncset.done $0x0  }
0xec: {  	[sflag:s30] =	ssyncadd.s32 $0xFFFFC180  }
0xed: {  	_ =	swait.ge [sflag:s14], $0x3E80  }
0xee: {  	[sflag:s14] =	ssyncset.done $0x0  }
0xef: {  	[sflag:s14] =	ssyncadd.s32 $0xFFFFC180  }
0xf0: {  	[spmem:s2] =	stream.indirect.scatter.add.f32 [tilespmem:s8], [sflag:$0x3], $0x80, s19, s0, $0xb8;
	[tilespmem:$0x1E800] =	vst v63  }
.Ltmp5:
0xf1: {  	_ =	swait.ge [sflag:s30], $0x3E80;
	(pc) =	sbr.rel .LBB2_12-.Ltmp5, $4  }
0xf2: {  	[sflag:s30] =	ssyncset.done $0x0  }
0xf3: {  	[sflag:s30] =	ssyncadd.s32 $0xFFFFC180  }
0xf4: {  	[bflag:$0x0] =	sbarrier.arrive $0xFFFF  }
0xf5: {  	s1 =	rddreg [dreg:$0x3]  }
.LBB2_7:
0xf6: {  	s1 =	rddreg [dreg:$0xe]  }
0xf7: {  	[spmem:s20], [sflag:s21] =	dma.local [hbm:s1], $0x800  }
0xf8: {  	_ =	swait.ge [sflag:s30], $0x800  }
0xf9: {  	[sflag:s30] =	ssyncset.done $0x0  }
0xfa: {  	s29 =	sshrl.u32 s11, $0x3;
	s9 =	rddreg [dreg:$0x6];
	[sflag:s30] =	ssyncadd.s32 $0xFFFFF800  }
0xfb: {  	[spmem:s29], [sflag:s21] =	dma.local [hbm:s9], $0x800  }
0xfc: {  	_ =	swait.ge [sflag:s30], $0x800  }
0xfd: {  	[sflag:s30] =	ssyncset.done $0x0  }
0xfe: {  	s9 =	sshrl.u32 s13, $0x3;
	s22 =	rddreg [dreg:$0x7];
	[sflag:s30] =	ssyncadd.s32 $0xFFFFF800  }
0xff: {  	[spmem:s9], [sflag:s21] =	dma.local [hbm:s22], $0x800  }
0x100: {  	_ =	swait.ge [sflag:s30], $0x800  }
0x101: {  	[sflag:s30] =	ssyncset.done $0x0  }
0x102: {  	s28 =	sshrl.u32 s15, $0x3;
	s29 =	rddreg [dreg:$0x8];
	[sflag:s30] =	ssyncadd.s32 $0xFFFFF800  }
0x103: {  	[spmem:s28], [sflag:s21] =	dma.local [hbm:s29], $0x800  }
0x104: {  	_ =	swait.ge [sflag:s30], $0x800  }
0x105: {  	[sflag:s30] =	ssyncset.done $0x0  }
0x106: {  	s22 =	sshrl.u32 s17, $0x3;
	s28 =	rddreg [dreg:$0x9];
	[sflag:s30] =	ssyncadd.s32 $0xFFFFF800  }
0x107: {  	[spmem:s22], [sflag:s21] =	dma.local [hbm:s28], $0x800  }
0x108: {  	_ =	swait.ge [sflag:s30], $0x800  }
0x109: {  	[sflag:s30] =	ssyncset.done $0x0  }
0x10a: {  	[sflag:s30] =	ssyncadd.s32 $0xFFFFF800  }
0x10b: {  	s29 =	simm.s32 $0x0;
	[bflag:$0x0] =	sbarrier.arrive $0xFFFF  }
0x10c: {  	[tilespmem:s29], [sflag:$0x3] =	stream.linear.gather [hbm4b:s23+s29], $0x1400, $0x38;
	[tilespmem:$0x1E800] =	vst v63  }
0x10d: {  	_ =	swait.ge [sflag:s30], $0x1400  }
0x10e: {  	[sflag:s30] =	ssyncset.done $0x0  }
0x10f: {  	[sflag:s30] =	ssyncadd.s32 $0xFFFFEC00  }
0x110: {  	[tilespmem:s31], [sflag:$0x3] =	stream.linear.gather [hbm4b:s24+s29], $0x1400, $0x38;
	[tilespmem:$0x1E800] =	vst v63  }
0x111: {  	_ =	swait.ge [sflag:s30], $0x1400  }
0x112: {  	[sflag:s30] =	ssyncset.done $0x0  }
0x113: {  	[sflag:s30] =	ssyncadd.s32 $0xFFFFEC00  }
0x114: {  	[tilespmem:s7], [sflag:$0x1] =	stream.indirect.gather [hbm4b:s6+s0], $0x80, s29, s0, $0xb8;
	[tilespmem:$0x1E800] =	vst v63  }
0x115: {  	s9 =	simm.s32 $0x80  }
0x116: {  	[tilespmem:s8], [sflag:$0x2] =	stream.indirect.gather [hbm4b:s6+s0], $0x80, s9, s0, $0xb8;
	[tilespmem:$0x1E800] =	vst v63  }
0x117: {  	_ =	swait.ge [sflag:s12], $0x3E80  }
0x118: {  	[sflag:s12] =	ssyncset.done $0x0  }
0x119: {  	s22 =	simm.s32 $0x1400;
	[sflag:s12] =	ssyncadd.s32 $0xFFFFC180  }
0x11a: {  	[spmem:s2] =	stream.indirect.scatter.add.f32 [tilespmem:s7], [sflag:$0x3], $0x80, s22, s0, $0xb8;
	[tilespmem:$0x1E800] =	vst v63  }
0x11b: {  	_ =	swait.ge [sflag:s30], $0x3E80  }
0x11c: {  	[sflag:s30] =	ssyncset.done $0x0  }
0x11d: {  	s28 =	simm.s32 $0x100;
	[sflag:s30] =	ssyncadd.s32 $0xFFFFC180  }
0x11e: {  	[tilespmem:s7], [sflag:$0x1] =	stream.indirect.gather [hbm4b:s6+s0], $0x80, s28, s0, $0xb8;
	[tilespmem:$0x1E800] =	vst v63  }
0x11f: {  	_ =	swait.ge [sflag:s14], $0x3E80  }
0x120: {  	[sflag:s14] =	ssyncset.done $0x0  }
0x121: {  	s29 =	simm.s32 $0x1480;
	[sflag:s14] =	ssyncadd.s32 $0xFFFFC180  }
0x122: {  	[spmem:s2] =	stream.indirect.scatter.add.f32 [tilespmem:s8], [sflag:$0x3], $0x80, s29, s0, $0xb8;
	[tilespmem:$0x1E800] =	vst v63  }
0x123: {  	_ =	swait.ge [sflag:s30], $0x3E80  }
0x124: {  	s1 =	simm.s32 $0x800;
	s22 =	simm.s32 $0x100;
	[sflag:s30] =	ssyncset.done $0x0  }
.LBB2_8:
0x125: {  	s9 =	sadd.s32 $0x80, s22  }
0x126: {  	[sflag:s30] =	ssyncadd.s32 $0xFFFFC180;
	s28 =	smov.u32 s1;
	s29 =	sadd.s32 $0x400, s1  }
0x127: {  	[tilespmem:s8], [sflag:$0x2] =	stream.indirect.gather [hbm4b:s6+s0], $0x80, s9, s0, $0xb8;
	[tilespmem:$0x1E800] =	vst v63  }
0x128: {  	p1 =	sne.s32 s1, $0x4800;
	_ =	swait.ge [sflag:s12], $0x3E80  }
0x129: {  	[sflag:s12] =	ssyncset.done $0x0  }
0x12a: {  	s1 =	sadd.s32 $0x1400, s22;
	[sflag:s12] =	ssyncadd.s32 $0xFFFFC180  }
0x12b: {  	[spmem:s2] =	stream.indirect.scatter.add.f32 [tilespmem:s7], [sflag:$0x3], $0x80, s1, s0, $0xb8;
	[tilespmem:$0x1E800] =	vst v63  }
0x12c: {  	_ =	swait.ge [sflag:s30], $0x3E80  }
0x12d: {  	[sflag:s30] =	ssyncset.done $0x0  }
0x12e: {  	s1 =	sadd.s32 $0x100, s22;
	[sflag:s30] =	ssyncadd.s32 $0xFFFFC180  }
0x12f: {  	[tilespmem:s7], [sflag:$0x1] =	stream.indirect.gather [hbm4b:s6+s0], $0x80, s1, s0, $0xb8;
	[tilespmem:$0x1E800] =	vst v63  }
0x130: {  	_ =	swait.ge [sflag:s14], $0x3E80  }
.Ltmp6:
0x131: {  	[sflag:s14] =	ssyncset.done $0x0;
	(pc) =	sbr.rel @p1 .LBB2_8-.Ltmp6, $4  }
0x132: {  	s1 =	sadd.s32 $0x1480, s22;
	[sflag:s14] =	ssyncadd.s32 $0xFFFFC180  }
0x133: {  	[spmem:s2] =	stream.indirect.scatter.add.f32 [tilespmem:s8], [sflag:$0x3], $0x80, s1, s0, $0xb8;
	[tilespmem:$0x1E800] =	vst v63  }
0x134: {  	_ =	swait.ge [sflag:s30], $0x3E80  }
0x135: {  	s22 =	sshra.s32 s28, $0x2;
	s1 =	smov.u32 s29;
	[sflag:s30] =	ssyncset.done $0x0  }
0x136: {  	s1 =	sadd.s32 $0x80, s22;
	[sflag:s30] =	ssyncadd.s32 $0xFFFFC180  }
0x137: {  	[tilespmem:s8], [sflag:$0x2] =	stream.indirect.gather [hbm4b:s6+s0], $0x80, s1, s0, $0xb8;
	[tilespmem:$0x1E800] =	vst v63  }
0x138: {  	_ =	swait.ge [sflag:s12], $0x3E80  }
0x139: {  	[sflag:s12] =	ssyncset.done $0x0  }
0x13a: {  	s29 =	sadd.s32 $0x1400, s22;
	[sflag:s12] =	ssyncadd.s32 $0xFFFFC180  }
0x13b: {  	[spmem:s2] =	stream.indirect.scatter.add.f32 [tilespmem:s7], [sflag:$0x3], $0x80, s29, s0, $0xb8;
	[tilespmem:$0x1E800] =	vst v63  }
0x13c: {  	_ =	swait.ge [sflag:s30], $0x3E80  }
0x13d: {  	[sflag:s30] =	ssyncset.done $0x0  }
0x13e: {  	s9 =	sadd.s32 $0x100, s22;
	[sflag:s30] =	ssyncadd.s32 $0xFFFFC180  }
0x13f: {  	[tilespmem:s7], [sflag:$0x1] =	stream.indirect.gather [hbm4b:s6+s0], $0x80, s9, s0, $0xb8;
	[tilespmem:$0x1E800] =	vst v63  }
0x140: {  	_ =	swait.ge [sflag:s14], $0x3E80  }
0x141: {  	[sflag:s14] =	ssyncset.done $0x0  }
0x142: {  	s28 =	sadd.s32 $0x1480, s22;
	[sflag:s14] =	ssyncadd.s32 $0xFFFFC180  }
0x143: {  	[spmem:s2] =	stream.indirect.scatter.add.f32 [tilespmem:s8], [sflag:$0x3], $0x80, s28, s0, $0xb8;
	[tilespmem:$0x1E800] =	vst v63  }
0x144: {  	_ =	swait.ge [sflag:s30], $0x3E80  }
0x145: {  	[sflag:s30] =	ssyncset.done $0x0  }
0x146: {  	[sflag:s30] =	ssyncadd.s32 $0xFFFFC180  }
0x147: {  	[tilespmem:s8], [sflag:$0x2] =	stream.indirect.gather [hbm4b:s6+s0], $0x80, s16, s0, $0xb8;
	[tilespmem:$0x1E800] =	vst v63  }
0x148: {  	_ =	swait.ge [sflag:s12], $0x3E80  }
0x149: {  	[sflag:s12] =	ssyncset.done $0x0  }
0x14a: {  	[sflag:s12] =	ssyncadd.s32 $0xFFFFC180  }
0x14b: {  	[spmem:s2] =	stream.indirect.scatter.add.f32 [tilespmem:s7], [sflag:$0x3], $0x80, s18, s0, $0xb8;
	[tilespmem:$0x1E800] =	vst v63  }
0x14c: {  	_ =	swait.ge [sflag:s30], $0x3E80  }
0x14d: {  	[sflag:s30] =	ssyncset.done $0x0  }
0x14e: {  	[sflag:s30] =	ssyncadd.s32 $0xFFFFC180  }
0x14f: {  	_ =	swait.ge [sflag:s14], $0x3E80  }
0x150: {  	[sflag:s14] =	ssyncset.done $0x0  }
0x151: {  	[sflag:s14] =	ssyncadd.s32 $0xFFFFC180  }
0x152: {  	[spmem:s2] =	stream.indirect.scatter.add.f32 [tilespmem:s8], [sflag:$0x3], $0x80, s19, s0, $0xb8;
	[tilespmem:$0x1E800] =	vst v63  }
0x153: {  	_ =	swait.ge [sflag:s30], $0x3E80  }
0x154: {  	[sflag:s30] =	ssyncset.done $0x0  }
0x155: {  	s29 =	simm.s32 $0x0;
	[sflag:s30] =	ssyncadd.s32 $0xFFFFC180  }
0x156: {  	[tilespmem:s29], [sflag:$0x3] =	stream.linear.gather [hbm4b:s25+s29], $0x1400, $0x38;
	[tilespmem:$0x1E800] =	vst v63  }
0x157: {  	_ =	swait.ge [sflag:s30], $0x1400  }
0x158: {  	[sflag:s30] =	ssyncset.done $0x0  }
0x159: {  	[sflag:s30] =	ssyncadd.s32 $0xFFFFEC00  }
0x15a: {  	[tilespmem:s31], [sflag:$0x3] =	stream.linear.gather [hbm4b:s26+s29], $0x1400, $0x38;
	[tilespmem:$0x1E800] =	vst v63  }
0x15b: {  	_ =	swait.ge [sflag:s30], $0x1400  }
0x15c: {  	[sflag:s30] =	ssyncset.done $0x0  }
0x15d: {  	[sflag:s30] =	ssyncadd.s32 $0xFFFFEC00  }
0x15e: {  	[tilespmem:s7], [sflag:$0x1] =	stream.indirect.gather [hbm4b:s6+s0], $0x80, s29, s0, $0xb8;
	[tilespmem:$0x1E800] =	vst v63  }
0x15f: {  	s9 =	simm.s32 $0x80  }
0x160: {  	[tilespmem:s8], [sflag:$0x2] =	stream.indirect.gather [hbm4b:s6+s0], $0x80, s9, s0, $0xb8;
	[tilespmem:$0x1E800] =	vst v63  }
0x161: {  	_ =	swait.ge [sflag:s12], $0x3E80  }
0x162: {  	[sflag:s12] =	ssyncset.done $0x0  }
0x163: {  	s22 =	simm.s32 $0x1400;
	[sflag:s12] =	ssyncadd.s32 $0xFFFFC180  }
0x164: {  	[spmem:s2] =	stream.indirect.scatter.add.f32 [tilespmem:s7], [sflag:$0x3], $0x80, s22, s0, $0xb8;
	[tilespmem:$0x1E800] =	vst v63  }
0x165: {  	_ =	swait.ge [sflag:s30], $0x3E80  }
0x166: {  	[sflag:s30] =	ssyncset.done $0x0  }
0x167: {  	s28 =	simm.s32 $0x100;
	[sflag:s30] =	ssyncadd.s32 $0xFFFFC180  }
0x168: {  	[tilespmem:s7], [sflag:$0x1] =	stream.indirect.gather [hbm4b:s6+s0], $0x80, s28, s0, $0xb8;
	[tilespmem:$0x1E800] =	vst v63  }
0x169: {  	_ =	swait.ge [sflag:s14], $0x3E80  }
0x16a: {  	[sflag:s14] =	ssyncset.done $0x0  }
0x16b: {  	s29 =	simm.s32 $0x1480;
	[sflag:s14] =	ssyncadd.s32 $0xFFFFC180  }
0x16c: {  	[spmem:s2] =	stream.indirect.scatter.add.f32 [tilespmem:s8], [sflag:$0x3], $0x80, s29, s0, $0xb8;
	[tilespmem:$0x1E800] =	vst v63  }
0x16d: {  	_ =	swait.ge [sflag:s30], $0x3E80  }
0x16e: {  	s1 =	simm.s32 $0x800;
	s22 =	simm.s32 $0x100;
	[sflag:s30] =	ssyncset.done $0x0  }
.LBB2_10:
0x16f: {  	s9 =	sadd.s32 $0x80, s22  }
0x170: {  	[sflag:s30] =	ssyncadd.s32 $0xFFFFC180;
	s28 =	smov.u32 s1;
	s29 =	sadd.s32 $0x400, s1  }
0x171: {  	[tilespmem:s8], [sflag:$0x2] =	stream.indirect.gather [hbm4b:s6+s0], $0x80, s9, s0, $0xb8;
	[tilespmem:$0x1E800] =	vst v63  }
0x172: {  	p1 =	sne.s32 s1, $0x4800;
	_ =	swait.ge [sflag:s12], $0x3E80  }
0x173: {  	[sflag:s12] =	ssyncset.done $0x0  }
0x174: {  	s1 =	sadd.s32 $0x1400, s22;
	[sflag:s12] =	ssyncadd.s32 $0xFFFFC180  }
0x175: {  	[spmem:s2] =	stream.indirect.scatter.add.f32 [tilespmem:s7], [sflag:$0x3], $0x80, s1, s0, $0xb8;
	[tilespmem:$0x1E800] =	vst v63  }
0x176: {  	_ =	swait.ge [sflag:s30], $0x3E80  }
0x177: {  	[sflag:s30] =	ssyncset.done $0x0  }
0x178: {  	s1 =	sadd.s32 $0x100, s22;
	[sflag:s30] =	ssyncadd.s32 $0xFFFFC180  }
0x179: {  	[tilespmem:s7], [sflag:$0x1] =	stream.indirect.gather [hbm4b:s6+s0], $0x80, s1, s0, $0xb8;
	[tilespmem:$0x1E800] =	vst v63  }
0x17a: {  	_ =	swait.ge [sflag:s14], $0x3E80  }
.Ltmp7:
0x17b: {  	[sflag:s14] =	ssyncset.done $0x0;
	(pc) =	sbr.rel @p1 .LBB2_10-.Ltmp7, $4  }
0x17c: {  	s1 =	sadd.s32 $0x1480, s22;
	[sflag:s14] =	ssyncadd.s32 $0xFFFFC180  }
0x17d: {  	[spmem:s2] =	stream.indirect.scatter.add.f32 [tilespmem:s8], [sflag:$0x3], $0x80, s1, s0, $0xb8;
	[tilespmem:$0x1E800] =	vst v63  }
0x17e: {  	_ =	swait.ge [sflag:s30], $0x3E80  }
0x17f: {  	s22 =	sshra.s32 s28, $0x2;
	s1 =	smov.u32 s29;
	[sflag:s30] =	ssyncset.done $0x0  }
.Ltmp8:
0x180: {  	_ = 	snop;
	(pc) =	sbr.rel .LBB2_11-.Ltmp8, $1  }
0x181: {  	_ =	sdelay $0x3  }
.LBB2_13:
0x182: {  	_ =	sfence.sel $0x180000  }
0x183: {  	[bflag:$0x0] =	sbarrier.arrive $0xFFFF  }
0x184: {  	_ =	strace $0x9000004A  }
0x185: {  	s0 =	stileid.u32;
	[bflag:$0x2] =	sbarrier.arrive $0xFFFF  }
0x186: {  	p0 =	sne.s32 s0, $0x0;
	s0 =	rddreg [dreg:$0x2]  }
0x187: {  	s0 =	sadd.s32 @!p0 $0x100000, s0  }
0x188: {  	[sflag:s0] =	ssyncadd.tile.s32 @!p0 $0x1;
	_ =	shalt  }
.Lfunc_end2:
_tile_overlayer_lowered:
.L_overlay_start_2:
0x189: {  	(tag) =	ssettag $0x2  }
0x18a: {  	s0 =	rddreg [dreg:$0x0];
	s2 =	stileid.u32  }
0x18b: {  	s1 =	rddreg [dreg:$0x1];
	p0 =	sne.s32 s2, $0x0  }
0x18c: {  	s3 =	rddreg [dreg:$0x2];
	[bflag:$0x3] =	sbarrier.arrive $0xFFFF;
	s2 =	simm.s32 @!p0 $0x1C03  }
0x18d: {  	[timem:s3], [sflag:s2] =	dma.local @!p0 [hbm:s0], s1  }
0x18e: {  	s0 =	simm.s32 @!p0 $0x3  }
0x18f: {  	_ =	swait.ge @!p0 [sflag:s0], s1  }
0x190: {  	s1 =	ssub.s32 @!p0 $0x0, s1;
	[sflag:s0] =	ssyncset.done @!p0 $0x0  }
0x191: {  	[sflag:s0] =	ssyncadd.s32 @!p0 s1  }
0x192: {  	[bflag:$0x3] =	sbarrier.arrive $0xFFFF  }
0x193: {  	_ =	shalt  }

</sc_bundles>
